<compile_context>
chip_gen: v7x
topology: tpu7x:2x2x1
jax: 0.10.2.dev20260603
libtpu: 0.0.44.dev20260713+nightly
codegen_flags: <defaults>
</compile_context>

<pallas_src>
import functools
import jax
import jax.numpy as jnp
from jax import lax
from jax.experimental import pallas as pl
from jax.experimental.pallas import tpu as pltpu
from jax.experimental.pallas import tpu_sc as plsc

_N = 20000
_C = 128
_G = 1024
_H = 4
_HD = _C // _H
_ROWS = 160
_NPAD = _ROWS * 128
_BIGI = (1 << 30)



def _fps_body(x_ref, y_ref, z_ref, pk_ref, gidx_ref, cpk_ref, dist_ref):
    flat = (lax.broadcasted_iota(jnp.int32, (_ROWS, 128), 0) * 128
            + lax.broadcasted_iota(jnp.int32, (_ROWS, 128), 1))
    rcomp = (_ROWS - 1) - lax.broadcasted_iota(jnp.int32, (_ROWS, 128), 0)
    pkl = (pk_ref[:]
           | ((127 - lax.broadcasted_iota(jnp.int32, (_ROWS, 128), 1)) << 24))
    dist_ref[:] = jnp.where(flat < _N, jnp.float32(1e10), jnp.float32(-1.0))
    x = x_ref[:]
    y = y_ref[:]
    z = z_ref[:]
    oi = (lax.broadcasted_iota(jnp.int32, (8, 128), 0) * 128
          + lax.broadcasted_iota(jnp.int32, (8, 128), 1))

    def fold2(k, p, h):
        t = k[:h] >= k[h:]
        return jnp.where(t, k[:h], k[h:]), jnp.where(t, p[:h], p[h:])

    def body(i, carry):
        far, cpk_s = carry
        gidx_ref[:] = jnp.where(oi == i, far, gidx_ref[:])
        cpk_ref[:] = jnp.where(oi == i, cpk_s, cpk_ref[:])
        pkb = jnp.broadcast_to(cpk_s, (_ROWS, 128))
        cx = (pkb & 255).astype(jnp.float32)
        cy = ((pkb >> 8) & 255).astype(jnp.float32)
        cz = ((pkb >> 16) & 255).astype(jnp.float32)
        dx = x - cx
        dy = y - cy
        dz = z - cz
        d = dx * dx + dy * dy + dz * dz
        nd = jnp.minimum(dist_ref[:], d)
        dist_ref[:] = nd
        ki = nd.astype(jnp.int32) * 256 + rcomp
        k, p = fold2(ki, pkl, 80)
        k, p = fold2(k, p, 40)
        ka, pa = k[:16], p[:16]
        kb, pb = k[16:32], p[16:32]
        kc, pc = k[32:40], p[32:40]
        t = ka >= kb
        k, p = jnp.where(t, ka, kb), jnp.where(t, pa, pb)
        k, p = fold2(k, p, 8)
        t = k >= kc
        k, p = jnp.where(t, k, kc), jnp.where(t, p, pc)
        k1 = jnp.max(jnp.max(k, axis=0, keepdims=True), axis=1, keepdims=True)
        sel = jnp.where(k == k1, p, -1)
        k2 = jnp.max(jnp.max(sel, axis=0, keepdims=True), axis=1, keepdims=True)
        mi = ((_ROWS - 1) - (k1 & 255)) * 128 + (127 - (k2 >> 24))
        return (mi, k2 & 0xFFFFFF)

    far0 = jnp.zeros((1, 1), jnp.int32)
    lax.fori_loop(0, _G, body, (far0, pk_ref[0:1, 0:1]))


_fps = pl.pallas_call(
    _fps_body,
    out_shape=(jax.ShapeDtypeStruct((8, 128), jnp.int32),
               jax.ShapeDtypeStruct((8, 128), jnp.int32)),
    scratch_shapes=[pltpu.VMEM((_ROWS, 128), jnp.float32)],
)


_SC_NC = 2
_SC_NS = 16
_SC_NW = _SC_NC * _SC_NS
_B1W = _G // _SC_NW

def _sc_gather_body(table_hbm, idx_hbm, out_hbm, idx_v, rows_v, sem):
    wid = lax.axis_index("s") * _SC_NC + lax.axis_index("c")
    base = wid * _B1W
    pltpu.sync_copy(idx_hbm.at[pl.ds(base, _B1W)], idx_v)
    pltpu.async_copy(table_hbm.at[idx_v], rows_v, sem).wait()
    pltpu.sync_copy(rows_v, out_hbm.at[pl.ds(base, _B1W)])


@functools.cache
def _get_sc_gather():
    mesh = plsc.VectorSubcoreMesh(
        core_axis_name="c", subcore_axis_name="s",
        num_cores=_SC_NC, num_subcores=_SC_NS)
    return pl.kernel(
        _sc_gather_body, mesh=mesh,
        out_type=jax.ShapeDtypeStruct((_G, _C), jnp.float32),
        scratch_types=[pltpu.VMEM((_B1W,), jnp.int32),
                       pltpu.VMEM((_B1W, _C), jnp.float32),
                       pltpu.SemaphoreType.DMA])


def _sc_gather(table, idx):
    return _get_sc_gather()(table, idx)



def _attn_body(x_ref, wqkv_ref, bqkv_ref, wproj_ref, bproj_ref, o_ref):
    x = x_ref[:].astype(jnp.bfloat16)
    qkv = lax.dot_general(x, wqkv_ref[:].astype(jnp.bfloat16),
                          (((1,), (0,)), ((), ())),
                          preferred_element_type=jnp.float32)
    qkv = qkv + bqkv_ref[0:1, :]
    scale = jnp.float32(_HD ** -0.5)
    outs = []
    for h in range(_H):
        q = (qkv[:, h * _HD:(h + 1) * _HD] * scale).astype(jnp.bfloat16)
        k = qkv[:, _C + h * _HD:_C + (h + 1) * _HD].astype(jnp.bfloat16)
        v = qkv[:, 2 * _C + h * _HD:2 * _C + (h + 1) * _HD].astype(jnp.bfloat16)
        logits = lax.dot_general(q, k, (((1,), (1,)), ((), ())),
                                 preferred_element_type=jnp.float32)
        mx = jnp.max(logits, axis=1, keepdims=True)
        p = jnp.exp(logits - mx)
        p = (p / jnp.sum(p, axis=1, keepdims=True)).astype(jnp.bfloat16)
        outs.append(lax.dot_general(p, v, (((1,), (0,)), ((), ())),
                                    preferred_element_type=jnp.float32))
    o = jnp.concatenate(outs, axis=1).astype(jnp.bfloat16)
    o_ref[:] = (lax.dot_general(o, wproj_ref[:].astype(jnp.bfloat16),
                                (((1,), (0,)), ((), ())),
                                preferred_element_type=jnp.float32)
                + bproj_ref[0:1, :])


_attn = pl.pallas_call(
    _attn_body,
    out_shape=jax.ShapeDtypeStruct((_G, _C), jnp.float32),
)


_PB = 512
_NBLK = _NPAD // _PB


def _knn_body(px_ref, py_ref, pz_ref, cx_ref, cy_ref, cz_ref, gf_ref,
              feat_ref, out_ref):
    riota = lax.broadcasted_iota(jnp.int32, (_G, 128), 0)
    riotac = lax.broadcasted_iota(jnp.int32, (128, 128), 0)
    gfb = gf_ref[:].astype(jnp.bfloat16)
    for j in range(_PB // 128):
        sl = slice(j * 128, (j + 1) * 128)
        px = px_ref[0, 0:1, sl]
        py = py_ref[0, 0:1, sl]
        pz = pz_ref[0, 0:1, sl]
        kmin = None
        for cc in range(_G // 128):
            cs = slice(cc * 128, (cc + 1) * 128)
            dx = px - cx_ref[cs, :]
            dy = py - cy_ref[cs, :]
            dz = pz - cz_ref[cs, :]
            d = dx * dx + dy * dy + dz * dz
            key = d.astype(jnp.int32) * 1024 + (riotac + cc * 128)
            kc = jnp.min(key, axis=0, keepdims=True)
            kmin = kc if kmin is None else jnp.minimum(kmin, kc)
        idx = kmin & 1023
        oh = jnp.where(riota == idx, jnp.float32(1.0),
                       jnp.float32(0.0)).astype(jnp.bfloat16)
        ctx = lax.dot_general(oh, gfb, (((0,), (0,)), ((), ())),
                              preferred_element_type=jnp.float32)
        out_ref[sl, :] = ctx + feat_ref[sl, :]


_knn = pl.pallas_call(
    _knn_body,
    grid=(_NBLK,),
    in_specs=[
        pl.BlockSpec((1, 1, _PB), lambda i: (i, 0, 0)),
        pl.BlockSpec((1, 1, _PB), lambda i: (i, 0, 0)),
        pl.BlockSpec((1, 1, _PB), lambda i: (i, 0, 0)),
        pl.BlockSpec((_G, 128), lambda i: (0, 0)),
        pl.BlockSpec((_G, 128), lambda i: (0, 0)),
        pl.BlockSpec((_G, 128), lambda i: (0, 0)),
        pl.BlockSpec((_G, _C), lambda i: (0, 0)),
        pl.BlockSpec((_PB, _C), lambda i: (i, 0)),
    ],
    out_specs=pl.BlockSpec((_PB, _C), lambda i: (i, 0)),
    out_shape=jax.ShapeDtypeStruct((_N, _C), jnp.float32),
)



def _pad_plane(col):
    return jnp.pad(col, (0, _NPAD - _N)).reshape(_ROWS, 128)


def kernel(features, indices, Wqkv, bqkv, Wproj, bproj):
    ix = indices[:, 1]
    iy = indices[:, 2]
    iz = indices[:, 3]
    x2d = _pad_plane(ix.astype(jnp.float32))
    y2d = _pad_plane(iy.astype(jnp.float32))
    z2d = _pad_plane(iz.astype(jnp.float32))
    pk2d = _pad_plane(ix + (iy << 8) + (iz << 16))

    gidx2d, cpk2d = _fps(x2d, y2d, z2d, pk2d)
    group_idx = gidx2d.reshape(_G)

    gathered = _sc_gather(features, group_idx)

    bqkv8 = jnp.broadcast_to(bqkv[None, :], (8, 3 * _C))
    bproj8 = jnp.broadcast_to(bproj[None, :], (8, _C))
    group_features = _attn(gathered, Wqkv, bqkv8, Wproj, bproj8)

    cpk = cpk2d.reshape(_G)
    cxb = jnp.broadcast_to((cpk & 255).astype(jnp.float32)[:, None], (_G, 128))
    cyb = jnp.broadcast_to(((cpk >> 8) & 255).astype(jnp.float32)[:, None],
                           (_G, 128))
    czb = jnp.broadcast_to(((cpk >> 16) & 255).astype(jnp.float32)[:, None],
                           (_G, 128))
    px = x2d.reshape(_NBLK, 1, _PB)
    py = y2d.reshape(_NBLK, 1, _PB)
    pz = z2d.reshape(_NBLK, 1, _PB)
    return _knn(px, py, pz, cxb, cyb, czb, group_features, features)

# --- scband reference (transcript-rebuilt; emitter-appended) ---
"""Pipeline reference for scband-context-layer-7052336300197 (READ-ONLY COPY).

The authoritative reference and input builder live on the scoring server;
editing this copy changes nothing except your own understanding.
"""

import jax, jax.numpy as jnp
import numpy as np

N = 20000
C = 128
G = 1024
H = 4


def setup_inputs(seed: int = 0) -> dict:
    key = jax.random.key(seed)
    k1, k2, k3, k4 = jax.random.split(key, 4)
    features = jax.random.normal(k1, (N, C), dtype=jnp.float32)
    coords = jax.random.randint(k2, (N, 3), 0, 256, dtype=jnp.int32)
    # sparse tensor indices: column 0 = batch index (batch_size=1 -> all zeros), columns 1:4 = voxel coords
    indices = jnp.concatenate([jnp.zeros((N, 1), dtype=jnp.int32), coords], axis=1)
    # SelfAttention params (torch nn.Linear weights stored transposed as [in, out])
    Wqkv = jax.random.normal(k3, (C, 3 * C), dtype=jnp.float32) * 0.02
    bqkv = jnp.zeros((3 * C,), dtype=jnp.float32)
    Wproj = jax.random.normal(k4, (C, C), dtype=jnp.float32) * 0.02
    bproj = jnp.zeros((C,), dtype=jnp.float32)
    return {"features": features, "indices": indices, "Wqkv": Wqkv, "bqkv": bqkv, "Wproj": Wproj, "bproj": bproj}


def farthest_point_sample(xyz, npoint):
    # xyz: [N, 3] float32. torch version starts from a random point; fixed to index 0 for determinism.
    n = xyz.shape[0]

    def body(i, carry):
        centroids, distance, farthest = carry
        centroids = centroids.at[i].set(farthest)
        centroid = xyz[farthest]
        dist = jnp.sum((xyz - centroid) ** 2, axis=-1)
        distance = jnp.minimum(distance, dist)
        farthest = jnp.argmax(distance).astype(jnp.int32)
        return (centroids, distance, farthest)

    init = (jnp.zeros((npoint,), dtype=jnp.int32), jnp.full((n,), 1e10, dtype=jnp.float32), jnp.array(0, dtype=jnp.int32))
    centroids, _, _ = jax.lax.fori_loop(0, npoint, body, init)
    return centroids


def square_distance(src, dst):
    # src: [N, C], dst: [M, C] -> [N, M]
    dist = -2.0 * (src @ dst.T)
    dist = dist + jnp.sum(src ** 2, axis=-1)[:, None]
    dist = dist + jnp.sum(dst ** 2, axis=-1)[None, :]
    return dist


def self_attention(x, Wqkv, bqkv, Wproj, bproj):
    B, Nn, Cc = x.shape
    hd = Cc // H
    qkv = (x @ Wqkv + bqkv).reshape(B, Nn, 3, H, hd).transpose(2, 0, 3, 1, 4)
    q = qkv[0] * (hd ** -0.5)
    k = qkv[1]
    v = qkv[2]
    attn = jax.nn.softmax(q @ jnp.swapaxes(k, -2, -1), axis=-1)
    out = jnp.swapaxes(attn @ v, 1, 2).reshape(B, Nn, Cc)
    return out @ Wproj + bproj


def reference(features, indices, Wqkv, bqkv, Wproj, bproj):
    # batch_size = 1: all indices belong to batch 0
    coords = indices[:, 1:].astype(jnp.float32)
    group_idx = farthest_point_sample(coords, G)
    group_features = self_attention(features[group_idx][None, :, :], Wqkv, bqkv, Wproj, bproj)[0]
    dists = square_distance(coords, coords[group_idx])
    min_dist_idx = jnp.argmin(dists, axis=1)
    context_features = group_features[min_dist_idx, :]
    return features + context_features

if __name__ == "__main__":
    import jax
    _d = setup_inputs()
    print(jax.jit(kernel)(*tuple(_d.values())))

</pallas_src>

<mosaic_0001>
#map = affine_map<(d0, d1) -> (0, 0)>
#map1 = affine_map<(d0, d1) -> (0)>
module attributes {stable_mosaic.version = 14 : i64} {
  func.func @_sc_gather_body(%arg0: i32, %arg1: i32, %arg2: memref<20000x128xf32, #tpu.memory_space<hbm>>, %arg3: memref<1024xi32, #tpu.memory_space<hbm>>, %arg4: memref<1024x128xf32, #tpu.memory_space<hbm>>, %arg5: memref<32xi32, #tpu.memory_space<vmem>>, %arg6: memref<32x128xf32, #tpu.memory_space<vmem>>, %arg7: memref<!tpu.dma_semaphore, #tpu.memory_space<semaphore_mem>>) attributes {dimension_semantics = [#tpu.dimension_semantics<core_parallel>, #tpu.dimension_semantics<subcore_parallel>], iteration_bounds = array<i64: 2, 16>, scalar_prefetch = 0 : i64, scratch_operands = 3 : i64, tpu.core_type = #tpu.core_type<sc_vector_subcore>, window_params = [{transform_indices = #map}, {transform_indices = #map1}, {transform_indices = #map}]} {
    %mul3A = arith.constant 2 : i32
    %mul3A_0 = arith.muli %arg1, %mul3A : i32
    %add3A = arith.addi %mul3A_0, %arg0 : i32
    %mul3A_1 = arith.constant 32 : i32
    %mul3A_2 = arith.muli %add3A, %mul3A_1 : i32
    "tpu.region"() ({
      %run_scoped3A = tpu.sem_alloc : memref<!tpu.dma_semaphore, #tpu.memory_space<semaphore_mem>>
      %dma_start3A_7 = tpu.memref_slice %arg3[%mul3A_2] : memref<1024xi32, #tpu.memory_space<hbm>> -> memref<32xi32, #tpu.memory_space<hbm>>
      %dma_start3A_8 = tpu.memref_slice %arg3[%mul3A_2] : memref<1024xi32, #tpu.memory_space<hbm>> -> memref<32xi32, #tpu.memory_space<hbm>>
      tpu.enqueue_dma source(%dma_start3A_8 : memref<32xi32, #tpu.memory_space<hbm>>) target(%arg5 : memref<32xi32, #tpu.memory_space<vmem>>) target_semaphore(%run_scoped3A : memref<!tpu.dma_semaphore, #tpu.memory_space<semaphore_mem>>)
      %dma_wait3A_9 = tpu.memref_slice %arg3[%mul3A_2] : memref<1024xi32, #tpu.memory_space<hbm>> -> memref<32xi32, #tpu.memory_space<hbm>>
      %dma_wait3A_10 = tpu.memref_slice %arg3[%mul3A_2] : memref<1024xi32, #tpu.memory_space<hbm>> -> memref<32xi32, #tpu.memory_space<hbm>>
      tpu.wait_dma2 semaphore(%run_scoped3A : memref<!tpu.dma_semaphore, #tpu.memory_space<semaphore_mem>>) src(%dma_wait3A_10 : memref<32xi32, #tpu.memory_space<hbm>>) dst(%arg5 : memref<32xi32, #tpu.memory_space<vmem>>)
      tpu.yield
    }) : () -> ()
    %dma_start3A = arith.constant 0 : i32
    %dma_start3A_3 = arith.constant 0 : i32
    %dma_start3A_4 = tpu.memref_slice %arg2[%dma_start3A, %dma_start3A_3] : memref<20000x128xf32, #tpu.memory_space<hbm>> -> memref<20000x128xf32, #tpu.memory_space<hbm>>
    tpu.enqueue_indirect_dma source(%dma_start3A_4 : memref<20000x128xf32, #tpu.memory_space<hbm>>) target(%arg6 : memref<32x128xf32, #tpu.memory_space<vmem>>) offsets(%arg5 : memref<32xi32, #tpu.memory_space<vmem>>) semaphore(%arg7 : memref<!tpu.dma_semaphore, #tpu.memory_space<semaphore_mem>>)
    %dma_wait3A = arith.constant 0 : i32
    %dma_wait3A_5 = arith.constant 0 : i32
    %dma_wait3A_6 = tpu.memref_slice %arg2[%dma_wait3A, %dma_wait3A_5] : memref<20000x128xf32, #tpu.memory_space<hbm>> -> memref<20000x128xf32, #tpu.memory_space<hbm>>
    tpu.wait_indirect_dma semaphore(%arg7 : memref<!tpu.dma_semaphore, #tpu.memory_space<semaphore_mem>>) src(%dma_wait3A_6 : memref<20000x128xf32, #tpu.memory_space<hbm>>) dst(%arg6 : memref<32x128xf32, #tpu.memory_space<vmem>>)
    "tpu.region"() ({
      %run_scoped3A = tpu.sem_alloc : memref<!tpu.dma_semaphore, #tpu.memory_space<semaphore_mem>>
      %dma_start3A_7 = arith.constant 0 : i32
      %dma_start3A_8 = tpu.memref_slice %arg4[%mul3A_2, %dma_start3A_7] : memref<1024x128xf32, #tpu.memory_space<hbm>> -> memref<32x128xf32, #tpu.memory_space<hbm>>
      %dma_start3A_9 = arith.constant 0 : i32
      %dma_start3A_10 = tpu.memref_slice %arg4[%mul3A_2, %dma_start3A_9] : memref<1024x128xf32, #tpu.memory_space<hbm>> -> memref<32x128xf32, #tpu.memory_space<hbm>>
      tpu.enqueue_dma source(%arg6 : memref<32x128xf32, #tpu.memory_space<vmem>>) target(%dma_start3A_10 : memref<32x128xf32, #tpu.memory_space<hbm>>) target_semaphore(%run_scoped3A : memref<!tpu.dma_semaphore, #tpu.memory_space<semaphore_mem>>)
      %dma_wait3A_11 = arith.constant 0 : i32
      %dma_wait3A_12 = tpu.memref_slice %arg4[%mul3A_2, %dma_wait3A_11] : memref<1024x128xf32, #tpu.memory_space<hbm>> -> memref<32x128xf32, #tpu.memory_space<hbm>>
      %dma_wait3A_13 = arith.constant 0 : i32
      %dma_wait3A_14 = tpu.memref_slice %arg4[%mul3A_2, %dma_wait3A_13] : memref<1024x128xf32, #tpu.memory_space<hbm>> -> memref<32x128xf32, #tpu.memory_space<hbm>>
      tpu.wait_dma2 semaphore(%run_scoped3A : memref<!tpu.dma_semaphore, #tpu.memory_space<semaphore_mem>>) src(%arg6 : memref<32x128xf32, #tpu.memory_space<vmem>>) dst(%dma_wait3A_14 : memref<32x128xf32, #tpu.memory_space<hbm>>)
      tpu.yield
    }) : () -> ()
    return
  }
}

module attributes {stable_mosaic.version = 14 : i64} {
  func.func @_attn_body(%arg0: memref<1024x128xf32, #tpu.memory_space<vmem>>, %arg1: memref<128x384xf32, #tpu.memory_space<vmem>>, %arg2: memref<8x384xf32, #tpu.memory_space<vmem>>, %arg3: memref<128x128xf32, #tpu.memory_space<vmem>>, %arg4: memref<8x128xf32, #tpu.memory_space<vmem>>, %arg5: memref<1024x128xf32, #tpu.memory_space<vmem>>) attributes {dimension_semantics = [], scalar_prefetch = 0 : i64, scratch_operands = 0 : i64, tpu.core_type = #tpu.core_type<tc>} {
    %get3A = arith.constant 0 : index
    %get3A_0 = arith.constant 0 : index
    %get3A_1 = vector.load %arg0[%get3A, %get3A_0] : memref<1024x128xf32, #tpu.memory_space<vmem>>, vector<1024x128xf32>
    %convert_element_type3A = arith.truncf %get3A_1 : vector<1024x128xf32> to vector<1024x128xbf16>
    %get3A_2 = arith.constant 0 : index
    %get3A_3 = arith.constant 0 : index
    %get3A_4 = vector.load %arg1[%get3A_2, %get3A_3] : memref<128x384xf32, #tpu.memory_space<vmem>>, vector<128x384xf32>
    %convert_element_type3A_5 = arith.truncf %get3A_4 : vector<128x384xf32> to vector<128x384xbf16>
    %dot_general3A = arith.constant dense<0.000000e+00> : vector<1024x384xf32>
    %dot_general3A_6 = tpu.matmul %convert_element_type3A, %convert_element_type3A_5, %dot_general3A {dimension_numbers = #tpu.dot_dimension_numbers<[1], [0], [0], [1], [0, 0, 1, 1], [], []>, transpose_lhs_hint = false} : vector<1024x128xbf16>, vector<128x384xbf16>, vector<1024x384xf32> -> vector<1024x384xf32>
    %get3A_7 = arith.constant 0 : index
    %get3A_8 = arith.constant 0 : index
    %get3A_9 = vector.load %arg2[%get3A_7, %get3A_8] : memref<8x384xf32, #tpu.memory_space<vmem>>, vector<1x384xf32>
    %add3A = vector.broadcast %get3A_9 : vector<1x384xf32> to vector<1024x384xf32>
    %add3A_10 = arith.addf %dot_general3A_6, %add3A : vector<1024x384xf32>
    %slice3A = vector.extract_strided_slice %add3A_10 {offsets = [0, 0], sizes = [1024, 32], strides = [1, 1]} : vector<1024x384xf32> to vector<1024x32xf32>
    %mul3A = arith.constant 0.176776692 : f32
    %mul3A_11 = vector.broadcast %mul3A : f32 to vector<1024x32xf32>
    %mul3A_12 = arith.mulf %slice3A, %mul3A_11 : vector<1024x32xf32>
    %convert_element_type3A_13 = arith.truncf %mul3A_12 : vector<1024x32xf32> to vector<1024x32xbf16>
    %slice3A_14 = vector.extract_strided_slice %add3A_10 {offsets = [0, 128], sizes = [1024, 32], strides = [1, 1]} : vector<1024x384xf32> to vector<1024x32xf32>
    %convert_element_type3A_15 = arith.truncf %slice3A_14 : vector<1024x32xf32> to vector<1024x32xbf16>
    %slice3A_16 = vector.extract_strided_slice %add3A_10 {offsets = [0, 256], sizes = [1024, 32], strides = [1, 1]} : vector<1024x384xf32> to vector<1024x32xf32>
    %convert_element_type3A_17 = arith.truncf %slice3A_16 : vector<1024x32xf32> to vector<1024x32xbf16>
    %dot_general3A_18 = arith.constant dense<0.000000e+00> : vector<1024x1024xf32>
    %dot_general3A_19 = tpu.matmul %convert_element_type3A_13, %convert_element_type3A_15, %dot_general3A_18 {dimension_numbers = #tpu.dot_dimension_numbers<[1], [1], [0], [0], [0, 0, 1, 0], [], []>, transpose_lhs_hint = false} : vector<1024x32xbf16>, vector<1024x32xbf16>, vector<1024x1024xf32> -> vector<1024x1024xf32>
    %reduce_max3A = arith.constant dense<0xFF800000> : vector<1024xf32>
    %reduce_max3A_20 = vector.multi_reduction <maximumf>, %dot_general3A_19, %reduce_max3A [1] : vector<1024x1024xf32> to vector<1024xf32>
    %broadcast_in_dim3A = vector.shape_cast %reduce_max3A_20 : vector<1024xf32> to vector<1024x1xf32>
    %sub3A = vector.broadcast %broadcast_in_dim3A : vector<1024x1xf32> to vector<1024x1024xf32>
    %sub3A_21 = arith.subf %dot_general3A_19, %sub3A : vector<1024x1024xf32>
    %exp3A = math.exp %sub3A_21 : vector<1024x1024xf32>
    %reduce_sum3A = arith.constant dense<0.000000e+00> : vector<1024xf32>
    %reduce_sum3A_22 = vector.multi_reduction <add>, %exp3A, %reduce_sum3A [1] : vector<1024x1024xf32> to vector<1024xf32>
    %broadcast_in_dim3A_23 = vector.shape_cast %reduce_sum3A_22 : vector<1024xf32> to vector<1024x1xf32>
    %div3A = vector.broadcast %broadcast_in_dim3A_23 : vector<1024x1xf32> to vector<1024x1024xf32>
    %div3A_24 = arith.divf %exp3A, %div3A : vector<1024x1024xf32>
    %convert_element_type3A_25 = arith.truncf %div3A_24 : vector<1024x1024xf32> to vector<1024x1024xbf16>
    %dot_general3A_26 = arith.constant dense<0.000000e+00> : vector<1024x32xf32>
    %dot_general3A_27 = tpu.matmul %convert_element_type3A_25, %convert_element_type3A_17, %dot_general3A_26 {dimension_numbers = #tpu.dot_dimension_numbers<[1], [0], [0], [1], [0, 0, 1, 1], [], []>, transpose_lhs_hint = false} : vector<1024x1024xbf16>, vector<1024x32xbf16>, vector<1024x32xf32> -> vector<1024x32xf32>
    %slice3A_28 = vector.extract_strided_slice %add3A_10 {offsets = [0, 32], sizes = [1024, 32], strides = [1, 1]} : vector<1024x384xf32> to vector<1024x32xf32>
    %mul3A_29 = arith.constant 0.176776692 : f32
    %mul3A_30 = vector.broadcast %mul3A_29 : f32 to vector<1024x32xf32>
    %mul3A_31 = arith.mulf %slice3A_28, %mul3A_30 : vector<1024x32xf32>
    %convert_element_type3A_32 = arith.truncf %mul3A_31 : vector<1024x32xf32> to vector<1024x32xbf16>
    %slice3A_33 = vector.extract_strided_slice %add3A_10 {offsets = [0, 160], sizes = [1024, 32], strides = [1, 1]} : vector<1024x384xf32> to vector<1024x32xf32>
    %convert_element_type3A_34 = arith.truncf %slice3A_33 : vector<1024x32xf32> to vector<1024x32xbf16>
    %slice3A_35 = vector.extract_strided_slice %add3A_10 {offsets = [0, 288], sizes = [1024, 32], strides = [1, 1]} : vector<1024x384xf32> to vector<1024x32xf32>
    %convert_element_type3A_36 = arith.truncf %slice3A_35 : vector<1024x32xf32> to vector<1024x32xbf16>
    %dot_general3A_37 = arith.constant dense<0.000000e+00> : vector<1024x1024xf32>
    %dot_general3A_38 = tpu.matmul %convert_element_type3A_32, %convert_element_type3A_34, %dot_general3A_37 {dimension_numbers = #tpu.dot_dimension_numbers<[1], [1], [0], [0], [0, 0, 1, 0], [], []>, transpose_lhs_hint = false} : vector<1024x32xbf16>, vector<1024x32xbf16>, vector<1024x1024xf32> -> vector<1024x1024xf32>
    %reduce_max3A_39 = arith.constant dense<0xFF800000> : vector<1024xf32>
    %reduce_max3A_40 = vector.multi_reduction <maximumf>, %dot_general3A_38, %reduce_max3A_39 [1] : vector<1024x1024xf32> to vector<1024xf32>
    %broadcast_in_dim3A_41 = vector.shape_cast %reduce_max3A_40 : vector<1024xf32> to vector<1024x1xf32>
    %sub3A_42 = vector.broadcast %broadcast_in_dim3A_41 : vector<1024x1xf32> to vector<1024x1024xf32>
    %sub3A_43 = arith.subf %dot_general3A_38, %sub3A_42 : vector<1024x1024xf32>
    %exp3A_44 = math.exp %sub3A_43 : vector<1024x1024xf32>
    %reduce_sum3A_45 = arith.constant dense<0.000000e+00> : vector<1024xf32>
    %reduce_sum3A_46 = vector.multi_reduction <add>, %exp3A_44, %reduce_sum3A_45 [1] : vector<1024x1024xf32> to vector<1024xf32>
    %broadcast_in_dim3A_47 = vector.shape_cast %reduce_sum3A_46 : vector<1024xf32> to vector<1024x1xf32>
    %div3A_48 = vector.broadcast %broadcast_in_dim3A_47 : vector<1024x1xf32> to vector<1024x1024xf32>
    %div3A_49 = arith.divf %exp3A_44, %div3A_48 : vector<1024x1024xf32>
    %convert_element_type3A_50 = arith.truncf %div3A_49 : vector<1024x1024xf32> to vector<1024x1024xbf16>
    %dot_general3A_51 = arith.constant dense<0.000000e+00> : vector<1024x32xf32>
    %dot_general3A_52 = tpu.matmul %convert_element_type3A_50, %convert_element_type3A_36, %dot_general3A_51 {dimension_numbers = #tpu.dot_dimension_numbers<[1], [0], [0], [1], [0, 0, 1, 1], [], []>, transpose_lhs_hint = false} : vector<1024x1024xbf16>, vector<1024x32xbf16>, vector<1024x32xf32> -> vector<1024x32xf32>
    %slice3A_53 = vector.extract_strided_slice %add3A_10 {offsets = [0, 64], sizes = [1024, 32], strides = [1, 1]} : vector<1024x384xf32> to vector<1024x32xf32>
    %mul3A_54 = arith.constant 0.176776692 : f32
    %mul3A_55 = vector.broadcast %mul3A_54 : f32 to vector<1024x32xf32>
    %mul3A_56 = arith.mulf %slice3A_53, %mul3A_55 : vector<1024x32xf32>
    %convert_element_type3A_57 = arith.truncf %mul3A_56 : vector<1024x32xf32> to vector<1024x32xbf16>
    %slice3A_58 = vector.extract_strided_slice %add3A_10 {offsets = [0, 192], sizes = [1024, 32], strides = [1, 1]} : vector<1024x384xf32> to vector<1024x32xf32>
    %convert_element_type3A_59 = arith.truncf %slice3A_58 : vector<1024x32xf32> to vector<1024x32xbf16>
    %slice3A_60 = vector.extract_strided_slice %add3A_10 {offsets = [0, 320], sizes = [1024, 32], strides = [1, 1]} : vector<1024x384xf32> to vector<1024x32xf32>
    %convert_element_type3A_61 = arith.truncf %slice3A_60 : vector<1024x32xf32> to vector<1024x32xbf16>
    %dot_general3A_62 = arith.constant dense<0.000000e+00> : vector<1024x1024xf32>
    %dot_general3A_63 = tpu.matmul %convert_element_type3A_57, %convert_element_type3A_59, %dot_general3A_62 {dimension_numbers = #tpu.dot_dimension_numbers<[1], [1], [0], [0], [0, 0, 1, 0], [], []>, transpose_lhs_hint = false} : vector<1024x32xbf16>, vector<1024x32xbf16>, vector<1024x1024xf32> -> vector<1024x1024xf32>
    %reduce_max3A_64 = arith.constant dense<0xFF800000> : vector<1024xf32>
    %reduce_max3A_65 = vector.multi_reduction <maximumf>, %dot_general3A_63, %reduce_max3A_64 [1] : vector<1024x1024xf32> to vector<1024xf32>
    %broadcast_in_dim3A_66 = vector.shape_cast %reduce_max3A_65 : vector<1024xf32> to vector<1024x1xf32>
    %sub3A_67 = vector.broadcast %broadcast_in_dim3A_66 : vector<1024x1xf32> to vector<1024x1024xf32>
    %sub3A_68 = arith.subf %dot_general3A_63, %sub3A_67 : vector<1024x1024xf32>
    %exp3A_69 = math.exp %sub3A_68 : vector<1024x1024xf32>
    %reduce_sum3A_70 = arith.constant dense<0.000000e+00> : vector<1024xf32>
    %reduce_sum3A_71 = vector.multi_reduction <add>, %exp3A_69, %reduce_sum3A_70 [1] : vector<1024x1024xf32> to vector<1024xf32>
    %broadcast_in_dim3A_72 = vector.shape_cast %reduce_sum3A_71 : vector<1024xf32> to vector<1024x1xf32>
    %div3A_73 = vector.broadcast %broadcast_in_dim3A_72 : vector<1024x1xf32> to vector<1024x1024xf32>
    %div3A_74 = arith.divf %exp3A_69, %div3A_73 : vector<1024x1024xf32>
    %convert_element_type3A_75 = arith.truncf %div3A_74 : vector<1024x1024xf32> to vector<1024x1024xbf16>
    %dot_general3A_76 = arith.constant dense<0.000000e+00> : vector<1024x32xf32>
    %dot_general3A_77 = tpu.matmul %convert_element_type3A_75, %convert_element_type3A_61, %dot_general3A_76 {dimension_numbers = #tpu.dot_dimension_numbers<[1], [0], [0], [1], [0, 0, 1, 1], [], []>, transpose_lhs_hint = false} : vector<1024x1024xbf16>, vector<1024x32xbf16>, vector<1024x32xf32> -> vector<1024x32xf32>
    %slice3A_78 = vector.extract_strided_slice %add3A_10 {offsets = [0, 96], sizes = [1024, 32], strides = [1, 1]} : vector<1024x384xf32> to vector<1024x32xf32>
    %mul3A_79 = arith.constant 0.176776692 : f32
    %mul3A_80 = vector.broadcast %mul3A_79 : f32 to vector<1024x32xf32>
    %mul3A_81 = arith.mulf %slice3A_78, %mul3A_80 : vector<1024x32xf32>
    %convert_element_type3A_82 = arith.truncf %mul3A_81 : vector<1024x32xf32> to vector<1024x32xbf16>
    %slice3A_83 = vector.extract_strided_slice %add3A_10 {offsets = [0, 224], sizes = [1024, 32], strides = [1, 1]} : vector<1024x384xf32> to vector<1024x32xf32>
    %convert_element_type3A_84 = arith.truncf %slice3A_83 : vector<1024x32xf32> to vector<1024x32xbf16>
    %slice3A_85 = vector.extract_strided_slice %add3A_10 {offsets = [0, 352], sizes = [1024, 32], strides = [1, 1]} : vector<1024x384xf32> to vector<1024x32xf32>
    %convert_element_type3A_86 = arith.truncf %slice3A_85 : vector<1024x32xf32> to vector<1024x32xbf16>
    %dot_general3A_87 = arith.constant dense<0.000000e+00> : vector<1024x1024xf32>
    %dot_general3A_88 = tpu.matmul %convert_element_type3A_82, %convert_element_type3A_84, %dot_general3A_87 {dimension_numbers = #tpu.dot_dimension_numbers<[1], [1], [0], [0], [0, 0, 1, 0], [], []>, transpose_lhs_hint = false} : vector<1024x32xbf16>, vector<1024x32xbf16>, vector<1024x1024xf32> -> vector<1024x1024xf32>
    %reduce_max3A_89 = arith.constant dense<0xFF800000> : vector<1024xf32>
    %reduce_max3A_90 = vector.multi_reduction <maximumf>, %dot_general3A_88, %reduce_max3A_89 [1] : vector<1024x1024xf32> to vector<1024xf32>
    %broadcast_in_dim3A_91 = vector.shape_cast %reduce_max3A_90 : vector<1024xf32> to vector<1024x1xf32>
    %sub3A_92 = vector.broadcast %broadcast_in_dim3A_91 : vector<1024x1xf32> to vector<1024x1024xf32>
    %sub3A_93 = arith.subf %dot_general3A_88, %sub3A_92 : vector<1024x1024xf32>
    %exp3A_94 = math.exp %sub3A_93 : vector<1024x1024xf32>
    %reduce_sum3A_95 = arith.constant dense<0.000000e+00> : vector<1024xf32>
    %reduce_sum3A_96 = vector.multi_reduction <add>, %exp3A_94, %reduce_sum3A_95 [1] : vector<1024x1024xf32> to vector<1024xf32>
    %broadcast_in_dim3A_97 = vector.shape_cast %reduce_sum3A_96 : vector<1024xf32> to vector<1024x1xf32>
    %div3A_98 = vector.broadcast %broadcast_in_dim3A_97 : vector<1024x1xf32> to vector<1024x1024xf32>
    %div3A_99 = arith.divf %exp3A_94, %div3A_98 : vector<1024x1024xf32>
    %convert_element_type3A_100 = arith.truncf %div3A_99 : vector<1024x1024xf32> to vector<1024x1024xbf16>
    %dot_general3A_101 = arith.constant dense<0.000000e+00> : vector<1024x32xf32>
    %dot_general3A_102 = tpu.matmul %convert_element_type3A_100, %convert_element_type3A_86, %dot_general3A_101 {dimension_numbers = #tpu.dot_dimension_numbers<[1], [0], [0], [1], [0, 0, 1, 1], [], []>, transpose_lhs_hint = false} : vector<1024x1024xbf16>, vector<1024x32xbf16>, vector<1024x32xf32> -> vector<1024x32xf32>
    %concatenate3A = tpu.concatenate %dot_general3A_27, %dot_general3A_52, %dot_general3A_77, %dot_general3A_102 in 1 : vector<1024x32xf32>, vector<1024x32xf32>, vector<1024x32xf32>, vector<1024x32xf32> -> vector<1024x128xf32>
    %convert_element_type3A_103 = arith.truncf %concatenate3A : vector<1024x128xf32> to vector<1024x128xbf16>
    %get3A_104 = arith.constant 0 : index
    %get3A_105 = arith.constant 0 : index
    %get3A_106 = vector.load %arg3[%get3A_104, %get3A_105] : memref<128x128xf32, #tpu.memory_space<vmem>>, vector<128x128xf32>
    %convert_element_type3A_107 = arith.truncf %get3A_106 : vector<128x128xf32> to vector<128x128xbf16>
    %dot_general3A_108 = arith.constant dense<0.000000e+00> : vector<1024x128xf32>
    %dot_general3A_109 = tpu.matmul %convert_element_type3A_103, %convert_element_type3A_107, %dot_general3A_108 {dimension_numbers = #tpu.dot_dimension_numbers<[1], [0], [0], [1], [0, 0, 1, 1], [], []>, transpose_lhs_hint = false} : vector<1024x128xbf16>, vector<128x128xbf16>, vector<1024x128xf32> -> vector<1024x128xf32>
    %get3A_110 = arith.constant 0 : index
    %get3A_111 = arith.constant 0 : index
    %get3A_112 = vector.load %arg4[%get3A_110, %get3A_111] : memref<8x128xf32, #tpu.memory_space<vmem>>, vector<1x128xf32>
    %add3A_113 = vector.broadcast %get3A_112 : vector<1x128xf32> to vector<1024x128xf32>
    %add3A_114 = arith.addf %dot_general3A_109, %add3A_113 : vector<1024x128xf32>
    %swap3A = arith.constant 0 : index
    %swap3A_115 = arith.constant 0 : index
    %swap3A_116 = vector.load %arg5[%swap3A, %swap3A_115] : memref<1024x128xf32, #tpu.memory_space<vmem>>, vector<1024x128xf32>
    tpu.vector_store %arg5[%swap3A, %swap3A_115], %add3A_114 {strides = array<i32>} : memref<1024x128xf32, #tpu.memory_space<vmem>>, vector<1024x128xf32>,
    return
  }
}

module attributes {stable_mosaic.version = 14 : i64} {
  func.func @_fps_body(%arg0: memref<160x128xf32, #tpu.memory_space<vmem>>, %arg1: memref<160x128xf32, #tpu.memory_space<vmem>>, %arg2: memref<160x128xf32, #tpu.memory_space<vmem>>, %arg3: memref<160x128xi32, #tpu.memory_space<vmem>>, %arg4: memref<8x128xi32, #tpu.memory_space<vmem>>, %arg5: memref<8x128xi32, #tpu.memory_space<vmem>>, %arg6: memref<160x128xf32, #tpu.memory_space<vmem>>) attributes {dimension_semantics = [], scalar_prefetch = 0 : i64, scratch_operands = 1 : i64, tpu.core_type = #tpu.core_type<tc>} {
    %iota3A = tpu.iota {dimensions = array<i32: 0>} : vector<160x128xi32>
    %mul3A = arith.constant 128 : i32
    %mul3A_0 = vector.broadcast %mul3A : i32 to vector<160x128xi32>
    %mul3A_1 = arith.muli %iota3A, %mul3A_0 : vector<160x128xi32>
    %iota3A_2 = tpu.iota {dimensions = array<i32: 1>} : vector<160x128xi32>
    %add3A = arith.addi %mul3A_1, %iota3A_2 : vector<160x128xi32>
    %iota3A_3 = tpu.iota {dimensions = array<i32: 0>} : vector<160x128xi32>
    %sub3A = arith.constant 159 : i32
    %sub3A_4 = vector.broadcast %sub3A : i32 to vector<160x128xi32>
    %sub3A_5 = arith.subi %sub3A_4, %iota3A_3 : vector<160x128xi32>
    %get3A = arith.constant 0 : index
    %get3A_6 = arith.constant 0 : index
    %get3A_7 = vector.load %arg3[%get3A, %get3A_6] : memref<160x128xi32, #tpu.memory_space<vmem>>, vector<160x128xi32>
    %iota3A_8 = tpu.iota {dimensions = array<i32: 1>} : vector<160x128xi32>
    %sub3A_9 = arith.constant 127 : i32
    %sub3A_10 = vector.broadcast %sub3A_9 : i32 to vector<160x128xi32>
    %sub3A_11 = arith.subi %sub3A_10, %iota3A_8 : vector<160x128xi32>
    %shift_left3A = arith.constant 24 : i32
    %shift_left3A_12 = vector.broadcast %shift_left3A : i32 to vector<160x128xi32>
    %shift_left3A_13 = arith.shli %sub3A_11, %shift_left3A_12 : vector<160x128xi32>
    %or3A = arith.ori %get3A_7, %shift_left3A_13 : vector<160x128xi32>
    %lt3A = arith.constant 20000 : i32
    %lt3A_14 = vector.broadcast %lt3A : i32 to vector<160x128xi32>
    %lt3A_15 = arith.cmpi slt, %add3A, %lt3A_14 : vector<160x128xi32>
    %jit3A = arith.constant 1.000000e+10 : f32
    %jit3A_16 = arith.constant -1.000000e+00 : f32
    %broadcast_in_dim3A = vector.broadcast %jit3A : f32 to vector<160x128xf32>
    %broadcast_in_dim3A_17 = vector.broadcast %jit3A_16 : f32 to vector<160x128xf32>
    %select_n3A = arith.select %lt3A_15, %broadcast_in_dim3A, %broadcast_in_dim3A_17 : vector<160x128xi1>, vector<160x128xf32>
    %swap3A = arith.constant 0 : index
    %swap3A_18 = arith.constant 0 : index
    %swap3A_19 = vector.load %arg6[%swap3A, %swap3A_18] : memref<160x128xf32, #tpu.memory_space<vmem>>, vector<160x128xf32>
    tpu.vector_store %arg6[%swap3A, %swap3A_18], %select_n3A {strides = array<i32>} : memref<160x128xf32, #tpu.memory_space<vmem>>, vector<160x128xf32>,
    %get3A_20 = arith.constant 0 : index
    %get3A_21 = arith.constant 0 : index
    %get3A_22 = vector.load %arg0[%get3A_20, %get3A_21] : memref<160x128xf32, #tpu.memory_space<vmem>>, vector<160x128xf32>
    %get3A_23 = arith.constant 0 : index
    %get3A_24 = arith.constant 0 : index
    %get3A_25 = vector.load %arg1[%get3A_23, %get3A_24] : memref<160x128xf32, #tpu.memory_space<vmem>>, vector<160x128xf32>
    %get3A_26 = arith.constant 0 : index
    %get3A_27 = arith.constant 0 : index
    %get3A_28 = vector.load %arg2[%get3A_26, %get3A_27] : memref<160x128xf32, #tpu.memory_space<vmem>>, vector<160x128xf32>
    %iota3A_29 = tpu.iota {dimensions = array<i32: 0>} : vector<8x128xi32>
    %mul3A_30 = arith.constant 128 : i32
    %mul3A_31 = vector.broadcast %mul3A_30 : i32 to vector<8x128xi32>
    %mul3A_32 = arith.muli %iota3A_29, %mul3A_31 : vector<8x128xi32>
    %iota3A_33 = tpu.iota {dimensions = array<i32: 1>} : vector<8x128xi32>
    %add3A_34 = arith.addi %mul3A_32, %iota3A_33 : vector<8x128xi32>
    %broadcast_in_dim3A_35 = arith.constant 0 : i32
    %broadcast_in_dim3A_36 = vector.broadcast %broadcast_in_dim3A_35 : i32 to vector<1x1xi32>
    %get3A_37 = arith.constant 0 : index
    %get3A_38 = arith.constant 0 : index
    %get3A_39 = vector.load %arg3[%get3A_37, %get3A_38] : memref<160x128xi32, #tpu.memory_space<vmem>>, vector<1x1xi32>
    %scan3A = arith.constant 0 : i32
    %scan3A_40 = arith.constant 1024 : i32
    %scan3A_41 = arith.addi %scan3A, %scan3A_40 : i32
    %scan3A_42 = arith.constant 1 : i32
    %scan3A_43:2 = scf.for %scan3A_45 = %scan3A to %scan3A_41 step %scan3A_42 iter_args(%scan3A_46 = %broadcast_in_dim3A_36, %scan3A_47 = %get3A_39) -> (vector<1x1xi32>, vector<1x1xi32>)  : i32 {
      %eq3A = vector.broadcast %scan3A_45 : i32 to vector<8x128xi32>
      %eq3A_48 = arith.cmpi eq, %add3A_34, %eq3A : vector<8x128xi32>
      %get3A_49 = arith.constant 0 : index
      %get3A_50 = arith.constant 0 : index
      %get3A_51 = vector.load %arg4[%get3A_49, %get3A_50] : memref<8x128xi32, #tpu.memory_space<vmem>>, vector<8x128xi32>
      %broadcast_in_dim3A_52 = vector.shape_cast %scan3A_46 : vector<1x1xi32> to vector<1x1xi32>
      %broadcast_in_dim3A_53 = vector.broadcast %broadcast_in_dim3A_52 : vector<1x1xi32> to vector<8x128xi32>
      %select_n3A_54 = arith.select %eq3A_48, %broadcast_in_dim3A_53, %get3A_51 : vector<8x128xi1>, vector<8x128xi32>
      %swap3A_55 = arith.constant 0 : index
      %swap3A_56 = arith.constant 0 : index
      %swap3A_57 = vector.load %arg4[%swap3A_55, %swap3A_56] : memref<8x128xi32, #tpu.memory_space<vmem>>, vector<8x128xi32>
      tpu.vector_store %arg4[%swap3A_55, %swap3A_56], %select_n3A_54 {strides = array<i32>} : memref<8x128xi32, #tpu.memory_space<vmem>>, vector<8x128xi32>,
      %eq3A_58 = vector.broadcast %scan3A_45 : i32 to vector<8x128xi32>
      %eq3A_59 = arith.cmpi eq, %add3A_34, %eq3A_58 : vector<8x128xi32>
      %get3A_60 = arith.constant 0 : index
      %get3A_61 = arith.constant 0 : index
      %get3A_62 = vector.load %arg5[%get3A_60, %get3A_61] : memref<8x128xi32, #tpu.memory_space<vmem>>, vector<8x128xi32>
      %broadcast_in_dim3A_63 = vector.shape_cast %scan3A_47 : vector<1x1xi32> to vector<1x1xi32>
      %broadcast_in_dim3A_64 = vector.broadcast %broadcast_in_dim3A_63 : vector<1x1xi32> to vector<8x128xi32>
      %select_n3A_65 = arith.select %eq3A_59, %broadcast_in_dim3A_64, %get3A_62 : vector<8x128xi1>, vector<8x128xi32>
      %swap3A_66 = arith.constant 0 : index
      %swap3A_67 = arith.constant 0 : index
      %swap3A_68 = vector.load %arg5[%swap3A_66, %swap3A_67] : memref<8x128xi32, #tpu.memory_space<vmem>>, vector<8x128xi32>
      tpu.vector_store %arg5[%swap3A_66, %swap3A_67], %select_n3A_65 {strides = array<i32>} : memref<8x128xi32, #tpu.memory_space<vmem>>, vector<8x128xi32>,
      %broadcast_in_dim3A_69 = vector.shape_cast %scan3A_47 : vector<1x1xi32> to vector<1x1xi32>
      %broadcast_in_dim3A_70 = vector.broadcast %broadcast_in_dim3A_69 : vector<1x1xi32> to vector<160x128xi32>
      %and3A = arith.constant 255 : i32
      %and3A_71 = vector.broadcast %and3A : i32 to vector<160x128xi32>
      %and3A_72 = arith.andi %broadcast_in_dim3A_70, %and3A_71 : vector<160x128xi32>
      %convert_element_type3A = arith.sitofp %and3A_72 : vector<160x128xi32> to vector<160x128xf32>
      %shift_right_arithmetic3A = arith.constant 8 : i32
      %shift_right_arithmetic3A_73 = vector.broadcast %shift_right_arithmetic3A : i32 to vector<160x128xi32>
      %shift_right_arithmetic3A_74 = arith.shrsi %broadcast_in_dim3A_70, %shift_right_arithmetic3A_73 : vector<160x128xi32>
      %and3A_75 = arith.constant 255 : i32
      %and3A_76 = vector.broadcast %and3A_75 : i32 to vector<160x128xi32>
      %and3A_77 = arith.andi %shift_right_arithmetic3A_74, %and3A_76 : vector<160x128xi32>
      %convert_element_type3A_78 = arith.sitofp %and3A_77 : vector<160x128xi32> to vector<160x128xf32>
      %shift_right_arithmetic3A_79 = arith.constant 16 : i32
      %shift_right_arithmetic3A_80 = vector.broadcast %shift_right_arithmetic3A_79 : i32 to vector<160x128xi32>
      %shift_right_arithmetic3A_81 = arith.shrsi %broadcast_in_dim3A_70, %shift_right_arithmetic3A_80 : vector<160x128xi32>
      %and3A_82 = arith.constant 255 : i32
      %and3A_83 = vector.broadcast %and3A_82 : i32 to vector<160x128xi32>
      %and3A_84 = arith.andi %shift_right_arithmetic3A_81, %and3A_83 : vector<160x128xi32>
      %convert_element_type3A_85 = arith.sitofp %and3A_84 : vector<160x128xi32> to vector<160x128xf32>
      %sub3A_86 = arith.subf %get3A_22, %convert_element_type3A : vector<160x128xf32>
      %sub3A_87 = arith.subf %get3A_25, %convert_element_type3A_78 : vector<160x128xf32>
      %sub3A_88 = arith.subf %get3A_28, %convert_element_type3A_85 : vector<160x128xf32>
      %mul3A_89 = arith.mulf %sub3A_86, %sub3A_86 : vector<160x128xf32>
      %mul3A_90 = arith.mulf %sub3A_87, %sub3A_87 : vector<160x128xf32>
      %add3A_91 = arith.addf %mul3A_89, %mul3A_90 : vector<160x128xf32>
      %mul3A_92 = arith.mulf %sub3A_88, %sub3A_88 : vector<160x128xf32>
      %add3A_93 = arith.addf %add3A_91, %mul3A_92 : vector<160x128xf32>
      %get3A_94 = arith.constant 0 : index
      %get3A_95 = arith.constant 0 : index
      %get3A_96 = vector.load %arg6[%get3A_94, %get3A_95] : memref<160x128xf32, #tpu.memory_space<vmem>>, vector<160x128xf32>
      %min3A = arith.minimumf %get3A_96, %add3A_93 : vector<160x128xf32>
      %swap3A_97 = arith.constant 0 : index
      %swap3A_98 = arith.constant 0 : index
      %swap3A_99 = vector.load %arg6[%swap3A_97, %swap3A_98] : memref<160x128xf32, #tpu.memory_space<vmem>>, vector<160x128xf32>
      tpu.vector_store %arg6[%swap3A_97, %swap3A_98], %min3A {strides = array<i32>} : memref<160x128xf32, #tpu.memory_space<vmem>>, vector<160x128xf32>,
      %convert_element_type3A_100 = arith.fptosi %min3A : vector<160x128xf32> to vector<160x128xi32>
      %mul3A_101 = arith.constant 256 : i32
      %mul3A_102 = vector.broadcast %mul3A_101 : i32 to vector<160x128xi32>
      %mul3A_103 = arith.muli %convert_element_type3A_100, %mul3A_102 : vector<160x128xi32>
      %add3A_104 = arith.addi %mul3A_103, %sub3A_5 : vector<160x128xi32>
      %slice3A = vector.extract_strided_slice %add3A_104 {offsets = [0, 0], sizes = [80, 128], strides = [1, 1]} : vector<160x128xi32> to vector<80x128xi32>
      %slice3A_105 = vector.extract_strided_slice %add3A_104 {offsets = [80, 0], sizes = [80, 128], strides = [1, 1]} : vector<160x128xi32> to vector<80x128xi32>
      %ge3A = arith.cmpi sge, %slice3A, %slice3A_105 : vector<80x128xi32>
      %slice3A_106 = vector.extract_strided_slice %add3A_104 {offsets = [0, 0], sizes = [80, 128], strides = [1, 1]} : vector<160x128xi32> to vector<80x128xi32>
      %slice3A_107 = vector.extract_strided_slice %add3A_104 {offsets = [80, 0], sizes = [80, 128], strides = [1, 1]} : vector<160x128xi32> to vector<80x128xi32>
      %select_n3A_108 = arith.select %ge3A, %slice3A_106, %slice3A_107 : vector<80x128xi1>, vector<80x128xi32>
      %slice3A_109 = vector.extract_strided_slice %or3A {offsets = [0, 0], sizes = [80, 128], strides = [1, 1]} : vector<160x128xi32> to vector<80x128xi32>
      %slice3A_110 = vector.extract_strided_slice %or3A {offsets = [80, 0], sizes = [80, 128], strides = [1, 1]} : vector<160x128xi32> to vector<80x128xi32>
      %select_n3A_111 = arith.select %ge3A, %slice3A_109, %slice3A_110 : vector<80x128xi1>, vector<80x128xi32>
      %slice3A_112 = vector.extract_strided_slice %select_n3A_108 {offsets = [0, 0], sizes = [40, 128], strides = [1, 1]} : vector<80x128xi32> to vector<40x128xi32>
      %slice3A_113 = vector.extract_strided_slice %select_n3A_108 {offsets = [40, 0], sizes = [40, 128], strides = [1, 1]} : vector<80x128xi32> to vector<40x128xi32>
      %ge3A_114 = arith.cmpi sge, %slice3A_112, %slice3A_113 : vector<40x128xi32>
      %slice3A_115 = vector.extract_strided_slice %select_n3A_108 {offsets = [0, 0], sizes = [40, 128], strides = [1, 1]} : vector<80x128xi32> to vector<40x128xi32>
      %slice3A_116 = vector.extract_strided_slice %select_n3A_108 {offsets = [40, 0], sizes = [40, 128], strides = [1, 1]} : vector<80x128xi32> to vector<40x128xi32>
      %select_n3A_117 = arith.select %ge3A_114, %slice3A_115, %slice3A_116 : vector<40x128xi1>, vector<40x128xi32>
      %slice3A_118 = vector.extract_strided_slice %select_n3A_111 {offsets = [0, 0], sizes = [40, 128], strides = [1, 1]} : vector<80x128xi32> to vector<40x128xi32>
      %slice3A_119 = vector.extract_strided_slice %select_n3A_111 {offsets = [40, 0], sizes = [40, 128], strides = [1, 1]} : vector<80x128xi32> to vector<40x128xi32>
      %select_n3A_120 = arith.select %ge3A_114, %slice3A_118, %slice3A_119 : vector<40x128xi1>, vector<40x128xi32>
      %slice3A_121 = vector.extract_strided_slice %select_n3A_117 {offsets = [0, 0], sizes = [16, 128], strides = [1, 1]} : vector<40x128xi32> to vector<16x128xi32>
      %slice3A_122 = vector.extract_strided_slice %select_n3A_120 {offsets = [0, 0], sizes = [16, 128], strides = [1, 1]} : vector<40x128xi32> to vector<16x128xi32>
      %slice3A_123 = vector.extract_strided_slice %select_n3A_117 {offsets = [16, 0], sizes = [16, 128], strides = [1, 1]} : vector<40x128xi32> to vector<16x128xi32>
      %slice3A_124 = vector.extract_strided_slice %select_n3A_120 {offsets = [16, 0], sizes = [16, 128], strides = [1, 1]} : vector<40x128xi32> to vector<16x128xi32>
      %slice3A_125 = vector.extract_strided_slice %select_n3A_117 {offsets = [32, 0], sizes = [8, 128], strides = [1, 1]} : vector<40x128xi32> to vector<8x128xi32>
      %slice3A_126 = vector.extract_strided_slice %select_n3A_120 {offsets = [32, 0], sizes = [8, 128], strides = [1, 1]} : vector<40x128xi32> to vector<8x128xi32>
      %ge3A_127 = arith.cmpi sge, %slice3A_121, %slice3A_123 : vector<16x128xi32>
      %select_n3A_128 = arith.select %ge3A_127, %slice3A_121, %slice3A_123 : vector<16x128xi1>, vector<16x128xi32>
      %select_n3A_129 = arith.select %ge3A_127, %slice3A_122, %slice3A_124 : vector<16x128xi1>, vector<16x128xi32>
      %slice3A_130 = vector.extract_strided_slice %select_n3A_128 {offsets = [0, 0], sizes = [8, 128], strides = [1, 1]} : vector<16x128xi32> to vector<8x128xi32>
      %slice3A_131 = vector.extract_strided_slice %select_n3A_128 {offsets = [8, 0], sizes = [8, 128], strides = [1, 1]} : vector<16x128xi32> to vector<8x128xi32>
      %ge3A_132 = arith.cmpi sge, %slice3A_130, %slice3A_131 : vector<8x128xi32>
      %slice3A_133 = vector.extract_strided_slice %select_n3A_128 {offsets = [0, 0], sizes = [8, 128], strides = [1, 1]} : vector<16x128xi32> to vector<8x128xi32>
      %slice3A_134 = vector.extract_strided_slice %select_n3A_128 {offsets = [8, 0], sizes = [8, 128], strides = [1, 1]} : vector<16x128xi32> to vector<8x128xi32>
      %select_n3A_135 = arith.select %ge3A_132, %slice3A_133, %slice3A_134 : vector<8x128xi1>, vector<8x128xi32>
      %slice3A_136 = vector.extract_strided_slice %select_n3A_129 {offsets = [0, 0], sizes = [8, 128], strides = [1, 1]} : vector<16x128xi32> to vector<8x128xi32>
      %slice3A_137 = vector.extract_strided_slice %select_n3A_129 {offsets = [8, 0], sizes = [8, 128], strides = [1, 1]} : vector<16x128xi32> to vector<8x128xi32>
      %select_n3A_138 = arith.select %ge3A_132, %slice3A_136, %slice3A_137 : vector<8x128xi1>, vector<8x128xi32>
      %ge3A_139 = arith.cmpi sge, %select_n3A_135, %slice3A_125 : vector<8x128xi32>
      %select_n3A_140 = arith.select %ge3A_139, %select_n3A_135, %slice3A_125 : vector<8x128xi1>, vector<8x128xi32>
      %select_n3A_141 = arith.select %ge3A_139, %select_n3A_138, %slice3A_126 : vector<8x128xi1>, vector<8x128xi32>
      %reduce_max3A = arith.constant dense<-2147483648> : vector<128xi32>
      %reduce_max3A_142 = vector.multi_reduction <maxsi>, %select_n3A_140, %reduce_max3A [0] : vector<8x128xi32> to vector<128xi32>
      %broadcast_in_dim3A_143 = vector.shape_cast %reduce_max3A_142 : vector<128xi32> to vector<1x128xi32>
      %reduce_max3A_144 = arith.constant dense<-2147483648> : vector<1xi32>
      %reduce_max3A_145 = vector.multi_reduction <maxsi>, %broadcast_in_dim3A_143, %reduce_max3A_144 [1] : vector<1x128xi32> to vector<1xi32>
      %broadcast_in_dim3A_146 = vector.shape_cast %reduce_max3A_145 : vector<1xi32> to vector<1x1xi32>
      %eq3A_147 = vector.broadcast %broadcast_in_dim3A_146 : vector<1x1xi32> to vector<8x128xi32>
      %eq3A_148 = arith.cmpi eq, %select_n3A_140, %eq3A_147 : vector<8x128xi32>
      %jit3A_149 = arith.constant -1 : i32
      %broadcast_in_dim3A_150 = vector.broadcast %jit3A_149 : i32 to vector<8x128xi32>
      %select_n3A_151 = arith.select %eq3A_148, %select_n3A_141, %broadcast_in_dim3A_150 : vector<8x128xi1>, vector<8x128xi32>
      %reduce_max3A_152 = arith.constant dense<-2147483648> : vector<128xi32>
      %reduce_max3A_153 = vector.multi_reduction <maxsi>, %select_n3A_151, %reduce_max3A_152 [0] : vector<8x128xi32> to vector<128xi32>
      %broadcast_in_dim3A_154 = vector.shape_cast %reduce_max3A_153 : vector<128xi32> to vector<1x128xi32>
      %reduce_max3A_155 = arith.constant dense<-2147483648> : vector<1xi32>
      %reduce_max3A_156 = vector.multi_reduction <maxsi>, %broadcast_in_dim3A_154, %reduce_max3A_155 [1] : vector<1x128xi32> to vector<1xi32>
      %broadcast_in_dim3A_157 = vector.shape_cast %reduce_max3A_156 : vector<1xi32> to vector<1x1xi32>
      %and3A_158 = arith.constant 255 : i32
      %and3A_159 = vector.broadcast %and3A_158 : i32 to vector<1x1xi32>
      %and3A_160 = arith.andi %broadcast_in_dim3A_146, %and3A_159 : vector<1x1xi32>
      %sub3A_161 = arith.constant 159 : i32
      %sub3A_162 = vector.broadcast %sub3A_161 : i32 to vector<1x1xi32>
      %sub3A_163 = arith.subi %sub3A_162, %and3A_160 : vector<1x1xi32>
      %mul3A_164 = arith.constant 128 : i32
      %mul3A_165 = vector.broadcast %mul3A_164 : i32 to vector<1x1xi32>
      %mul3A_166 = arith.muli %sub3A_163, %mul3A_165 : vector<1x1xi32>
      %shift_right_arithmetic3A_167 = arith.constant 24 : i32
      %shift_right_arithmetic3A_168 = vector.broadcast %shift_right_arithmetic3A_167 : i32 to vector<1x1xi32>
      %shift_right_arithmetic3A_169 = arith.shrsi %broadcast_in_dim3A_157, %shift_right_arithmetic3A_168 : vector<1x1xi32>
      %sub3A_170 = arith.constant 127 : i32
      %sub3A_171 = vector.broadcast %sub3A_170 : i32 to vector<1x1xi32>
      %sub3A_172 = arith.subi %sub3A_171, %shift_right_arithmetic3A_169 : vector<1x1xi32>
      %add3A_173 = arith.addi %mul3A_166, %sub3A_172 : vector<1x1xi32>
      %and3A_174 = arith.constant 16777215 : i32
      %and3A_175 = vector.broadcast %and3A_174 : i32 to vector<1x1xi32>
      %and3A_176 = arith.andi %broadcast_in_dim3A_157, %and3A_175 : vector<1x1xi32>
      scf.yield %add3A_173, %and3A_176 : vector<1x1xi32>, vector<1x1xi32>
    }
    %scan3A_44 = arith.constant 1024 : i32
    return
  }
}

module attributes {stable_mosaic.version = 14 : i64} {
  func.func @_knn_body(%arg0: i32, %arg1: memref<1x1x512xf32, #tpu.memory_space<vmem>>, %arg2: memref<1x1x512xf32, #tpu.memory_space<vmem>>, %arg3: memref<1x1x512xf32, #tpu.memory_space<vmem>>, %arg4: memref<1024x128xf32, #tpu.memory_space<vmem>>, %arg5: memref<1024x128xf32, #tpu.memory_space<vmem>>, %arg6: memref<1024x128xf32, #tpu.memory_space<vmem>>, %arg7: memref<1024x128xf32, #tpu.memory_space<vmem>>, %arg8: memref<512x128xf32, #tpu.memory_space<vmem>>, %arg9: memref<512x128xf32, #tpu.memory_space<vmem>>) attributes {dimension_semantics = [#tpu.dimension_semantics<arbitrary>], iteration_bounds = array<i64: 40>, scalar_prefetch = 0 : i64, scratch_operands = 0 : i64, tpu.core_type = #tpu.core_type<tc>, window_params = [{transform_indices = @transform_0, window_bounds = array<i64: 1, 1, 512>}, {transform_indices = @transform_1, window_bounds = array<i64: 1, 1, 512>}, {transform_indices = @transform_2, window_bounds = array<i64: 1, 1, 512>}, {pipeline_mode = #tpu.pipeline_mode<synchronous>, transform_indices = @transform_3, window_bounds = array<i64: 1024, 128>}, {pipeline_mode = #tpu.pipeline_mode<synchronous>, transform_indices = @transform_4, window_bounds = array<i64: 1024, 128>}, {pipeline_mode = #tpu.pipeline_mode<synchronous>, transform_indices = @transform_5, window_bounds = array<i64: 1024, 128>}, {pipeline_mode = #tpu.pipeline_mode<synchronous>, transform_indices = @transform_6, window_bounds = array<i64: 1024, 128>}, {transform_indices = @transform_7, window_bounds = array<i64: 512, 128>}, {transform_indices = @transform_8, window_bounds = array<i64: 512, 128>}]} {
    %iota3A = tpu.iota {dimensions = array<i32: 0>} : vector<1024x128xi32>
    %iota3A_0 = tpu.iota {dimensions = array<i32: 0>} : vector<128x128xi32>
    %get3A = arith.constant 0 : index
    %get3A_1 = arith.constant 0 : index
    %get3A_2 = vector.load %arg7[%get3A, %get3A_1] : memref<1024x128xf32, #tpu.memory_space<vmem>>, vector<1024x128xf32>
    %convert_element_type3A = arith.truncf %get3A_2 : vector<1024x128xf32> to vector<1024x128xbf16>
    %get3A_3 = arith.constant 0 : index
    %get3A_4 = arith.constant 0 : index
    %get3A_5 = arith.constant 0 : index
    %get3A_6 = vector.load %arg1[%get3A_3, %get3A_4, %get3A_5] : memref<1x1x512xf32, #tpu.memory_space<vmem>>, vector<1x1x128xf32>
    %get3A_7 = vector.shape_cast %get3A_6 : vector<1x1x128xf32> to vector<1x128xf32>
    %get3A_8 = arith.constant 0 : index
    %get3A_9 = arith.constant 0 : index
    %get3A_10 = arith.constant 0 : index
    %get3A_11 = vector.load %arg2[%get3A_8, %get3A_9, %get3A_10] : memref<1x1x512xf32, #tpu.memory_space<vmem>>, vector<1x1x128xf32>
    %get3A_12 = vector.shape_cast %get3A_11 : vector<1x1x128xf32> to vector<1x128xf32>
    %get3A_13 = arith.constant 0 : index
    %get3A_14 = arith.constant 0 : index
    %get3A_15 = arith.constant 0 : index
    %get3A_16 = vector.load %arg3[%get3A_13, %get3A_14, %get3A_15] : memref<1x1x512xf32, #tpu.memory_space<vmem>>, vector<1x1x128xf32>
    %get3A_17 = vector.shape_cast %get3A_16 : vector<1x1x128xf32> to vector<1x128xf32>
    %get3A_18 = arith.constant 0 : index
    %get3A_19 = arith.constant 0 : index
    %get3A_20 = vector.load %arg4[%get3A_18, %get3A_19] : memref<1024x128xf32, #tpu.memory_space<vmem>>, vector<128x128xf32>
    %sub3A = vector.broadcast %get3A_7 : vector<1x128xf32> to vector<128x128xf32>
    %sub3A_21 = arith.subf %sub3A, %get3A_20 : vector<128x128xf32>
    %get3A_22 = arith.constant 0 : index
    %get3A_23 = arith.constant 0 : index
    %get3A_24 = vector.load %arg5[%get3A_22, %get3A_23] : memref<1024x128xf32, #tpu.memory_space<vmem>>, vector<128x128xf32>
    %sub3A_25 = vector.broadcast %get3A_12 : vector<1x128xf32> to vector<128x128xf32>
    %sub3A_26 = arith.subf %sub3A_25, %get3A_24 : vector<128x128xf32>
    %get3A_27 = arith.constant 0 : index
    %get3A_28 = arith.constant 0 : index
    %get3A_29 = vector.load %arg6[%get3A_27, %get3A_28] : memref<1024x128xf32, #tpu.memory_space<vmem>>, vector<128x128xf32>
    %sub3A_30 = vector.broadcast %get3A_17 : vector<1x128xf32> to vector<128x128xf32>
    %sub3A_31 = arith.subf %sub3A_30, %get3A_29 : vector<128x128xf32>
    %mul3A = arith.mulf %sub3A_21, %sub3A_21 : vector<128x128xf32>
    %mul3A_32 = arith.mulf %sub3A_26, %sub3A_26 : vector<128x128xf32>
    %add3A = arith.addf %mul3A, %mul3A_32 : vector<128x128xf32>
    %mul3A_33 = arith.mulf %sub3A_31, %sub3A_31 : vector<128x128xf32>
    %add3A_34 = arith.addf %add3A, %mul3A_33 : vector<128x128xf32>
    %convert_element_type3A_35 = arith.fptosi %add3A_34 : vector<128x128xf32> to vector<128x128xi32>
    %mul3A_36 = arith.constant 1024 : i32
    %mul3A_37 = vector.broadcast %mul3A_36 : i32 to vector<128x128xi32>
    %mul3A_38 = arith.muli %convert_element_type3A_35, %mul3A_37 : vector<128x128xi32>
    %add3A_39 = arith.constant 0 : i32
    %add3A_40 = vector.broadcast %add3A_39 : i32 to vector<128x128xi32>
    %add3A_41 = arith.addi %iota3A_0, %add3A_40 : vector<128x128xi32>
    %add3A_42 = arith.addi %mul3A_38, %add3A_41 : vector<128x128xi32>
    %reduce_min3A = arith.constant dense<2147483647> : vector<128xi32>
    %reduce_min3A_43 = vector.multi_reduction <minsi>, %add3A_42, %reduce_min3A [0] : vector<128x128xi32> to vector<128xi32>
    %broadcast_in_dim3A = vector.shape_cast %reduce_min3A_43 : vector<128xi32> to vector<1x128xi32>
    %get3A_44 = arith.constant 128 : index
    %get3A_45 = arith.constant 0 : index
    %get3A_46 = vector.load %arg4[%get3A_44, %get3A_45] : memref<1024x128xf32, #tpu.memory_space<vmem>>, vector<128x128xf32>
    %sub3A_47 = vector.broadcast %get3A_7 : vector<1x128xf32> to vector<128x128xf32>
    %sub3A_48 = arith.subf %sub3A_47, %get3A_46 : vector<128x128xf32>
    %get3A_49 = arith.constant 128 : index
    %get3A_50 = arith.constant 0 : index
    %get3A_51 = vector.load %arg5[%get3A_49, %get3A_50] : memref<1024x128xf32, #tpu.memory_space<vmem>>, vector<128x128xf32>
    %sub3A_52 = vector.broadcast %get3A_12 : vector<1x128xf32> to vector<128x128xf32>
    %sub3A_53 = arith.subf %sub3A_52, %get3A_51 : vector<128x128xf32>
    %get3A_54 = arith.constant 128 : index
    %get3A_55 = arith.constant 0 : index
    %get3A_56 = vector.load %arg6[%get3A_54, %get3A_55] : memref<1024x128xf32, #tpu.memory_space<vmem>>, vector<128x128xf32>
    %sub3A_57 = vector.broadcast %get3A_17 : vector<1x128xf32> to vector<128x128xf32>
    %sub3A_58 = arith.subf %sub3A_57, %get3A_56 : vector<128x128xf32>
    %mul3A_59 = arith.mulf %sub3A_48, %sub3A_48 : vector<128x128xf32>
    %mul3A_60 = arith.mulf %sub3A_53, %sub3A_53 : vector<128x128xf32>
    %add3A_61 = arith.addf %mul3A_59, %mul3A_60 : vector<128x128xf32>
    %mul3A_62 = arith.mulf %sub3A_58, %sub3A_58 : vector<128x128xf32>
    %add3A_63 = arith.addf %add3A_61, %mul3A_62 : vector<128x128xf32>
    %convert_element_type3A_64 = arith.fptosi %add3A_63 : vector<128x128xf32> to vector<128x128xi32>
    %mul3A_65 = arith.constant 1024 : i32
    %mul3A_66 = vector.broadcast %mul3A_65 : i32 to vector<128x128xi32>
    %mul3A_67 = arith.muli %convert_element_type3A_64, %mul3A_66 : vector<128x128xi32>
    %add3A_68 = arith.constant 128 : i32
    %add3A_69 = vector.broadcast %add3A_68 : i32 to vector<128x128xi32>
    %add3A_70 = arith.addi %iota3A_0, %add3A_69 : vector<128x128xi32>
    %add3A_71 = arith.addi %mul3A_67, %add3A_70 : vector<128x128xi32>
    %reduce_min3A_72 = arith.constant dense<2147483647> : vector<128xi32>
    %reduce_min3A_73 = vector.multi_reduction <minsi>, %add3A_71, %reduce_min3A_72 [0] : vector<128x128xi32> to vector<128xi32>
    %broadcast_in_dim3A_74 = vector.shape_cast %reduce_min3A_73 : vector<128xi32> to vector<1x128xi32>
    %min3A = arith.minsi %broadcast_in_dim3A, %broadcast_in_dim3A_74 : vector<1x128xi32>
    %get3A_75 = arith.constant 256 : index
    %get3A_76 = arith.constant 0 : index
    %get3A_77 = vector.load %arg4[%get3A_75, %get3A_76] : memref<1024x128xf32, #tpu.memory_space<vmem>>, vector<128x128xf32>
    %sub3A_78 = vector.broadcast %get3A_7 : vector<1x128xf32> to vector<128x128xf32>
    %sub3A_79 = arith.subf %sub3A_78, %get3A_77 : vector<128x128xf32>
    %get3A_80 = arith.constant 256 : index
    %get3A_81 = arith.constant 0 : index
    %get3A_82 = vector.load %arg5[%get3A_80, %get3A_81] : memref<1024x128xf32, #tpu.memory_space<vmem>>, vector<128x128xf32>
    %sub3A_83 = vector.broadcast %get3A_12 : vector<1x128xf32> to vector<128x128xf32>
    %sub3A_84 = arith.subf %sub3A_83, %get3A_82 : vector<128x128xf32>
    %get3A_85 = arith.constant 256 : index
    %get3A_86 = arith.constant 0 : index
    %get3A_87 = vector.load %arg6[%get3A_85, %get3A_86] : memref<1024x128xf32, #tpu.memory_space<vmem>>, vector<128x128xf32>
    %sub3A_88 = vector.broadcast %get3A_17 : vector<1x128xf32> to vector<128x128xf32>
    %sub3A_89 = arith.subf %sub3A_88, %get3A_87 : vector<128x128xf32>
    %mul3A_90 = arith.mulf %sub3A_79, %sub3A_79 : vector<128x128xf32>
    %mul3A_91 = arith.mulf %sub3A_84, %sub3A_84 : vector<128x128xf32>
    %add3A_92 = arith.addf %mul3A_90, %mul3A_91 : vector<128x128xf32>
    %mul3A_93 = arith.mulf %sub3A_89, %sub3A_89 : vector<128x128xf32>
    %add3A_94 = arith.addf %add3A_92, %mul3A_93 : vector<128x128xf32>
    %convert_element_type3A_95 = arith.fptosi %add3A_94 : vector<128x128xf32> to vector<128x128xi32>
    %mul3A_96 = arith.constant 1024 : i32
    %mul3A_97 = vector.broadcast %mul3A_96 : i32 to vector<128x128xi32>
    %mul3A_98 = arith.muli %convert_element_type3A_95, %mul3A_97 : vector<128x128xi32>
    %add3A_99 = arith.constant 256 : i32
    %add3A_100 = vector.broadcast %add3A_99 : i32 to vector<128x128xi32>
    %add3A_101 = arith.addi %iota3A_0, %add3A_100 : vector<128x128xi32>
    %add3A_102 = arith.addi %mul3A_98, %add3A_101 : vector<128x128xi32>
    %reduce_min3A_103 = arith.constant dense<2147483647> : vector<128xi32>
    %reduce_min3A_104 = vector.multi_reduction <minsi>, %add3A_102, %reduce_min3A_103 [0] : vector<128x128xi32> to vector<128xi32>
    %broadcast_in_dim3A_105 = vector.shape_cast %reduce_min3A_104 : vector<128xi32> to vector<1x128xi32>
    %min3A_106 = arith.minsi %min3A, %broadcast_in_dim3A_105 : vector<1x128xi32>
    %get3A_107 = arith.constant 384 : index
    %get3A_108 = arith.constant 0 : index
    %get3A_109 = vector.load %arg4[%get3A_107, %get3A_108] : memref<1024x128xf32, #tpu.memory_space<vmem>>, vector<128x128xf32>
    %sub3A_110 = vector.broadcast %get3A_7 : vector<1x128xf32> to vector<128x128xf32>
    %sub3A_111 = arith.subf %sub3A_110, %get3A_109 : vector<128x128xf32>
    %get3A_112 = arith.constant 384 : index
    %get3A_113 = arith.constant 0 : index
    %get3A_114 = vector.load %arg5[%get3A_112, %get3A_113] : memref<1024x128xf32, #tpu.memory_space<vmem>>, vector<128x128xf32>
    %sub3A_115 = vector.broadcast %get3A_12 : vector<1x128xf32> to vector<128x128xf32>
    %sub3A_116 = arith.subf %sub3A_115, %get3A_114 : vector<128x128xf32>
    %get3A_117 = arith.constant 384 : index
    %get3A_118 = arith.constant 0 : index
    %get3A_119 = vector.load %arg6[%get3A_117, %get3A_118] : memref<1024x128xf32, #tpu.memory_space<vmem>>, vector<128x128xf32>
    %sub3A_120 = vector.broadcast %get3A_17 : vector<1x128xf32> to vector<128x128xf32>
    %sub3A_121 = arith.subf %sub3A_120, %get3A_119 : vector<128x128xf32>
    %mul3A_122 = arith.mulf %sub3A_111, %sub3A_111 : vector<128x128xf32>
    %mul3A_123 = arith.mulf %sub3A_116, %sub3A_116 : vector<128x128xf32>
    %add3A_124 = arith.addf %mul3A_122, %mul3A_123 : vector<128x128xf32>
    %mul3A_125 = arith.mulf %sub3A_121, %sub3A_121 : vector<128x128xf32>
    %add3A_126 = arith.addf %add3A_124, %mul3A_125 : vector<128x128xf32>
    %convert_element_type3A_127 = arith.fptosi %add3A_126 : vector<128x128xf32> to vector<128x128xi32>
    %mul3A_128 = arith.constant 1024 : i32
    %mul3A_129 = vector.broadcast %mul3A_128 : i32 to vector<128x128xi32>
    %mul3A_130 = arith.muli %convert_element_type3A_127, %mul3A_129 : vector<128x128xi32>
    %add3A_131 = arith.constant 384 : i32
    %add3A_132 = vector.broadcast %add3A_131 : i32 to vector<128x128xi32>
    %add3A_133 = arith.addi %iota3A_0, %add3A_132 : vector<128x128xi32>
    %add3A_134 = arith.addi %mul3A_130, %add3A_133 : vector<128x128xi32>
    %reduce_min3A_135 = arith.constant dense<2147483647> : vector<128xi32>
    %reduce_min3A_136 = vector.multi_reduction <minsi>, %add3A_134, %reduce_min3A_135 [0] : vector<128x128xi32> to vector<128xi32>
    %broadcast_in_dim3A_137 = vector.shape_cast %reduce_min3A_136 : vector<128xi32> to vector<1x128xi32>
    %min3A_138 = arith.minsi %min3A_106, %broadcast_in_dim3A_137 : vector<1x128xi32>
    %get3A_139 = arith.constant 512 : index
    %get3A_140 = arith.constant 0 : index
    %get3A_141 = vector.load %arg4[%get3A_139, %get3A_140] : memref<1024x128xf32, #tpu.memory_space<vmem>>, vector<128x128xf32>
    %sub3A_142 = vector.broadcast %get3A_7 : vector<1x128xf32> to vector<128x128xf32>
    %sub3A_143 = arith.subf %sub3A_142, %get3A_141 : vector<128x128xf32>
    %get3A_144 = arith.constant 512 : index
    %get3A_145 = arith.constant 0 : index
    %get3A_146 = vector.load %arg5[%get3A_144, %get3A_145] : memref<1024x128xf32, #tpu.memory_space<vmem>>, vector<128x128xf32>
    %sub3A_147 = vector.broadcast %get3A_12 : vector<1x128xf32> to vector<128x128xf32>
    %sub3A_148 = arith.subf %sub3A_147, %get3A_146 : vector<128x128xf32>
    %get3A_149 = arith.constant 512 : index
    %get3A_150 = arith.constant 0 : index
    %get3A_151 = vector.load %arg6[%get3A_149, %get3A_150] : memref<1024x128xf32, #tpu.memory_space<vmem>>, vector<128x128xf32>
    %sub3A_152 = vector.broadcast %get3A_17 : vector<1x128xf32> to vector<128x128xf32>
    %sub3A_153 = arith.subf %sub3A_152, %get3A_151 : vector<128x128xf32>
    %mul3A_154 = arith.mulf %sub3A_143, %sub3A_143 : vector<128x128xf32>
    %mul3A_155 = arith.mulf %sub3A_148, %sub3A_148 : vector<128x128xf32>
    %add3A_156 = arith.addf %mul3A_154, %mul3A_155 : vector<128x128xf32>
    %mul3A_157 = arith.mulf %sub3A_153, %sub3A_153 : vector<128x128xf32>
    %add3A_158 = arith.addf %add3A_156, %mul3A_157 : vector<128x128xf32>
    %convert_element_type3A_159 = arith.fptosi %add3A_158 : vector<128x128xf32> to vector<128x128xi32>
    %mul3A_160 = arith.constant 1024 : i32
    %mul3A_161 = vector.broadcast %mul3A_160 : i32 to vector<128x128xi32>
    %mul3A_162 = arith.muli %convert_element_type3A_159, %mul3A_161 : vector<128x128xi32>
    %add3A_163 = arith.constant 512 : i32
    %add3A_164 = vector.broadcast %add3A_163 : i32 to vector<128x128xi32>
    %add3A_165 = arith.addi %iota3A_0, %add3A_164 : vector<128x128xi32>
    %add3A_166 = arith.addi %mul3A_162, %add3A_165 : vector<128x128xi32>
    %reduce_min3A_167 = arith.constant dense<2147483647> : vector<128xi32>
    %reduce_min3A_168 = vector.multi_reduction <minsi>, %add3A_166, %reduce_min3A_167 [0] : vector<128x128xi32> to vector<128xi32>
    %broadcast_in_dim3A_169 = vector.shape_cast %reduce_min3A_168 : vector<128xi32> to vector<1x128xi32>
    %min3A_170 = arith.minsi %min3A_138, %broadcast_in_dim3A_169 : vector<1x128xi32>
    %get3A_171 = arith.constant 640 : index
    %get3A_172 = arith.constant 0 : index
    %get3A_173 = vector.load %arg4[%get3A_171, %get3A_172] : memref<1024x128xf32, #tpu.memory_space<vmem>>, vector<128x128xf32>
    %sub3A_174 = vector.broadcast %get3A_7 : vector<1x128xf32> to vector<128x128xf32>
    %sub3A_175 = arith.subf %sub3A_174, %get3A_173 : vector<128x128xf32>
    %get3A_176 = arith.constant 640 : index
    %get3A_177 = arith.constant 0 : index
    %get3A_178 = vector.load %arg5[%get3A_176, %get3A_177] : memref<1024x128xf32, #tpu.memory_space<vmem>>, vector<128x128xf32>
    %sub3A_179 = vector.broadcast %get3A_12 : vector<1x128xf32> to vector<128x128xf32>
    %sub3A_180 = arith.subf %sub3A_179, %get3A_178 : vector<128x128xf32>
    %get3A_181 = arith.constant 640 : index
    %get3A_182 = arith.constant 0 : index
    %get3A_183 = vector.load %arg6[%get3A_181, %get3A_182] : memref<1024x128xf32, #tpu.memory_space<vmem>>, vector<128x128xf32>
    %sub3A_184 = vector.broadcast %get3A_17 : vector<1x128xf32> to vector<128x128xf32>
    %sub3A_185 = arith.subf %sub3A_184, %get3A_183 : vector<128x128xf32>
    %mul3A_186 = arith.mulf %sub3A_175, %sub3A_175 : vector<128x128xf32>
    %mul3A_187 = arith.mulf %sub3A_180, %sub3A_180 : vector<128x128xf32>
    %add3A_188 = arith.addf %mul3A_186, %mul3A_187 : vector<128x128xf32>
    %mul3A_189 = arith.mulf %sub3A_185, %sub3A_185 : vector<128x128xf32>
    %add3A_190 = arith.addf %add3A_188, %mul3A_189 : vector<128x128xf32>
    %convert_element_type3A_191 = arith.fptosi %add3A_190 : vector<128x128xf32> to vector<128x128xi32>
    %mul3A_192 = arith.constant 1024 : i32
    %mul3A_193 = vector.broadcast %mul3A_192 : i32 to vector<128x128xi32>
    %mul3A_194 = arith.muli %convert_element_type3A_191, %mul3A_193 : vector<128x128xi32>
    %add3A_195 = arith.constant 640 : i32
    %add3A_196 = vector.broadcast %add3A_195 : i32 to vector<128x128xi32>
    %add3A_197 = arith.addi %iota3A_0, %add3A_196 : vector<128x128xi32>
    %add3A_198 = arith.addi %mul3A_194, %add3A_197 : vector<128x128xi32>
    %reduce_min3A_199 = arith.constant dense<2147483647> : vector<128xi32>
    %reduce_min3A_200 = vector.multi_reduction <minsi>, %add3A_198, %reduce_min3A_199 [0] : vector<128x128xi32> to vector<128xi32>
    %broadcast_in_dim3A_201 = vector.shape_cast %reduce_min3A_200 : vector<128xi32> to vector<1x128xi32>
    %min3A_202 = arith.minsi %min3A_170, %broadcast_in_dim3A_201 : vector<1x128xi32>
    %get3A_203 = arith.constant 768 : index
    %get3A_204 = arith.constant 0 : index
    %get3A_205 = vector.load %arg4[%get3A_203, %get3A_204] : memref<1024x128xf32, #tpu.memory_space<vmem>>, vector<128x128xf32>
    %sub3A_206 = vector.broadcast %get3A_7 : vector<1x128xf32> to vector<128x128xf32>
    %sub3A_207 = arith.subf %sub3A_206, %get3A_205 : vector<128x128xf32>
    %get3A_208 = arith.constant 768 : index
    %get3A_209 = arith.constant 0 : index
    %get3A_210 = vector.load %arg5[%get3A_208, %get3A_209] : memref<1024x128xf32, #tpu.memory_space<vmem>>, vector<128x128xf32>
    %sub3A_211 = vector.broadcast %get3A_12 : vector<1x128xf32> to vector<128x128xf32>
    %sub3A_212 = arith.subf %sub3A_211, %get3A_210 : vector<128x128xf32>
    %get3A_213 = arith.constant 768 : index
    %get3A_214 = arith.constant 0 : index
    %get3A_215 = vector.load %arg6[%get3A_213, %get3A_214] : memref<1024x128xf32, #tpu.memory_space<vmem>>, vector<128x128xf32>
    %sub3A_216 = vector.broadcast %get3A_17 : vector<1x128xf32> to vector<128x128xf32>
    %sub3A_217 = arith.subf %sub3A_216, %get3A_215 : vector<128x128xf32>
    %mul3A_218 = arith.mulf %sub3A_207, %sub3A_207 : vector<128x128xf32>
    %mul3A_219 = arith.mulf %sub3A_212, %sub3A_212 : vector<128x128xf32>
    %add3A_220 = arith.addf %mul3A_218, %mul3A_219 : vector<128x128xf32>
    %mul3A_221 = arith.mulf %sub3A_217, %sub3A_217 : vector<128x128xf32>
    %add3A_222 = arith.addf %add3A_220, %mul3A_221 : vector<128x128xf32>
    %convert_element_type3A_223 = arith.fptosi %add3A_222 : vector<128x128xf32> to vector<128x128xi32>
    %mul3A_224 = arith.constant 1024 : i32
    %mul3A_225 = vector.broadcast %mul3A_224 : i32 to vector<128x128xi32>
    %mul3A_226 = arith.muli %convert_element_type3A_223, %mul3A_225 : vector<128x128xi32>
    %add3A_227 = arith.constant 768 : i32
    %add3A_228 = vector.broadcast %add3A_227 : i32 to vector<128x128xi32>
    %add3A_229 = arith.addi %iota3A_0, %add3A_228 : vector<128x128xi32>
    %add3A_230 = arith.addi %mul3A_226, %add3A_229 : vector<128x128xi32>
    %reduce_min3A_231 = arith.constant dense<2147483647> : vector<128xi32>
    %reduce_min3A_232 = vector.multi_reduction <minsi>, %add3A_230, %reduce_min3A_231 [0] : vector<128x128xi32> to vector<128xi32>
    %broadcast_in_dim3A_233 = vector.shape_cast %reduce_min3A_232 : vector<128xi32> to vector<1x128xi32>
    %min3A_234 = arith.minsi %min3A_202, %broadcast_in_dim3A_233 : vector<1x128xi32>
    %get3A_235 = arith.constant 896 : index
    %get3A_236 = arith.constant 0 : index
    %get3A_237 = vector.load %arg4[%get3A_235, %get3A_236] : memref<1024x128xf32, #tpu.memory_space<vmem>>, vector<128x128xf32>
    %sub3A_238 = vector.broadcast %get3A_7 : vector<1x128xf32> to vector<128x128xf32>
    %sub3A_239 = arith.subf %sub3A_238, %get3A_237 : vector<128x128xf32>
    %get3A_240 = arith.constant 896 : index
    %get3A_241 = arith.constant 0 : index
    %get3A_242 = vector.load %arg5[%get3A_240, %get3A_241] : memref<1024x128xf32, #tpu.memory_space<vmem>>, vector<128x128xf32>
    %sub3A_243 = vector.broadcast %get3A_12 : vector<1x128xf32> to vector<128x128xf32>
    %sub3A_244 = arith.subf %sub3A_243, %get3A_242 : vector<128x128xf32>
    %get3A_245 = arith.constant 896 : index
    %get3A_246 = arith.constant 0 : index
    %get3A_247 = vector.load %arg6[%get3A_245, %get3A_246] : memref<1024x128xf32, #tpu.memory_space<vmem>>, vector<128x128xf32>
    %sub3A_248 = vector.broadcast %get3A_17 : vector<1x128xf32> to vector<128x128xf32>
    %sub3A_249 = arith.subf %sub3A_248, %get3A_247 : vector<128x128xf32>
    %mul3A_250 = arith.mulf %sub3A_239, %sub3A_239 : vector<128x128xf32>
    %mul3A_251 = arith.mulf %sub3A_244, %sub3A_244 : vector<128x128xf32>
    %add3A_252 = arith.addf %mul3A_250, %mul3A_251 : vector<128x128xf32>
    %mul3A_253 = arith.mulf %sub3A_249, %sub3A_249 : vector<128x128xf32>
    %add3A_254 = arith.addf %add3A_252, %mul3A_253 : vector<128x128xf32>
    %convert_element_type3A_255 = arith.fptosi %add3A_254 : vector<128x128xf32> to vector<128x128xi32>
    %mul3A_256 = arith.constant 1024 : i32
    %mul3A_257 = vector.broadcast %mul3A_256 : i32 to vector<128x128xi32>
    %mul3A_258 = arith.muli %convert_element_type3A_255, %mul3A_257 : vector<128x128xi32>
    %add3A_259 = arith.constant 896 : i32
    %add3A_260 = vector.broadcast %add3A_259 : i32 to vector<128x128xi32>
    %add3A_261 = arith.addi %iota3A_0, %add3A_260 : vector<128x128xi32>
    %add3A_262 = arith.addi %mul3A_258, %add3A_261 : vector<128x128xi32>
    %reduce_min3A_263 = arith.constant dense<2147483647> : vector<128xi32>
    %reduce_min3A_264 = vector.multi_reduction <minsi>, %add3A_262, %reduce_min3A_263 [0] : vector<128x128xi32> to vector<128xi32>
    %broadcast_in_dim3A_265 = vector.shape_cast %reduce_min3A_264 : vector<128xi32> to vector<1x128xi32>
    %min3A_266 = arith.minsi %min3A_234, %broadcast_in_dim3A_265 : vector<1x128xi32>
    %and3A = arith.constant 1023 : i32
    %and3A_267 = vector.broadcast %and3A : i32 to vector<1x128xi32>
    %and3A_268 = arith.andi %min3A_266, %and3A_267 : vector<1x128xi32>
    %eq3A = vector.broadcast %and3A_268 : vector<1x128xi32> to vector<1024x128xi32>
    %eq3A_269 = arith.cmpi eq, %iota3A, %eq3A : vector<1024x128xi32>
    %jit3A = arith.constant 1.000000e+00 : f32
    %jit3A_270 = arith.constant 0.000000e+00 : f32
    %broadcast_in_dim3A_271 = vector.broadcast %jit3A : f32 to vector<1024x128xf32>
    %broadcast_in_dim3A_272 = vector.broadcast %jit3A_270 : f32 to vector<1024x128xf32>
    %select_n3A = arith.select %eq3A_269, %broadcast_in_dim3A_271, %broadcast_in_dim3A_272 : vector<1024x128xi1>, vector<1024x128xf32>
    %convert_element_type3A_273 = arith.truncf %select_n3A : vector<1024x128xf32> to vector<1024x128xbf16>
    %dot_general3A = arith.constant dense<0.000000e+00> : vector<128x128xf32>
    %dot_general3A_274 = tpu.matmul %convert_element_type3A_273, %convert_element_type3A, %dot_general3A {dimension_numbers = #tpu.dot_dimension_numbers<[0], [0], [1], [1], [0, 1, 1, 1], [], []>, transpose_lhs_hint = false} : vector<1024x128xbf16>, vector<1024x128xbf16>, vector<128x128xf32> -> vector<128x128xf32>
    %get3A_275 = arith.constant 0 : index
    %get3A_276 = arith.constant 0 : index
    %get3A_277 = vector.load %arg8[%get3A_275, %get3A_276] : memref<512x128xf32, #tpu.memory_space<vmem>>, vector<128x128xf32>
    %add3A_278 = arith.addf %dot_general3A_274, %get3A_277 : vector<128x128xf32>
    %swap3A = arith.constant 0 : index
    %swap3A_279 = arith.constant 0 : index
    %swap3A_280 = vector.load %arg9[%swap3A, %swap3A_279] : memref<512x128xf32, #tpu.memory_space<vmem>>, vector<128x128xf32>
    tpu.vector_store %arg9[%swap3A, %swap3A_279], %add3A_278 {strides = array<i32>} : memref<512x128xf32, #tpu.memory_space<vmem>>, vector<128x128xf32>,
    %get3A_281 = arith.constant 0 : index
    %get3A_282 = arith.constant 0 : index
    %get3A_283 = arith.constant 128 : index
    %get3A_284 = vector.load %arg1[%get3A_281, %get3A_282, %get3A_283] : memref<1x1x512xf32, #tpu.memory_space<vmem>>, vector<1x1x128xf32>
    %get3A_285 = vector.shape_cast %get3A_284 : vector<1x1x128xf32> to vector<1x128xf32>
    %get3A_286 = arith.constant 0 : index
    %get3A_287 = arith.constant 0 : index
    %get3A_288 = arith.constant 128 : index
    %get3A_289 = vector.load %arg2[%get3A_286, %get3A_287, %get3A_288] : memref<1x1x512xf32, #tpu.memory_space<vmem>>, vector<1x1x128xf32>
    %get3A_290 = vector.shape_cast %get3A_289 : vector<1x1x128xf32> to vector<1x128xf32>
    %get3A_291 = arith.constant 0 : index
    %get3A_292 = arith.constant 0 : index
    %get3A_293 = arith.constant 128 : index
    %get3A_294 = vector.load %arg3[%get3A_291, %get3A_292, %get3A_293] : memref<1x1x512xf32, #tpu.memory_space<vmem>>, vector<1x1x128xf32>
    %get3A_295 = vector.shape_cast %get3A_294 : vector<1x1x128xf32> to vector<1x128xf32>
    %get3A_296 = arith.constant 0 : index
    %get3A_297 = arith.constant 0 : index
    %get3A_298 = vector.load %arg4[%get3A_296, %get3A_297] : memref<1024x128xf32, #tpu.memory_space<vmem>>, vector<128x128xf32>
    %sub3A_299 = vector.broadcast %get3A_285 : vector<1x128xf32> to vector<128x128xf32>
    %sub3A_300 = arith.subf %sub3A_299, %get3A_298 : vector<128x128xf32>
    %get3A_301 = arith.constant 0 : index
    %get3A_302 = arith.constant 0 : index
    %get3A_303 = vector.load %arg5[%get3A_301, %get3A_302] : memref<1024x128xf32, #tpu.memory_space<vmem>>, vector<128x128xf32>
    %sub3A_304 = vector.broadcast %get3A_290 : vector<1x128xf32> to vector<128x128xf32>
    %sub3A_305 = arith.subf %sub3A_304, %get3A_303 : vector<128x128xf32>
    %get3A_306 = arith.constant 0 : index
    %get3A_307 = arith.constant 0 : index
    %get3A_308 = vector.load %arg6[%get3A_306, %get3A_307] : memref<1024x128xf32, #tpu.memory_space<vmem>>, vector<128x128xf32>
    %sub3A_309 = vector.broadcast %get3A_295 : vector<1x128xf32> to vector<128x128xf32>
    %sub3A_310 = arith.subf %sub3A_309, %get3A_308 : vector<128x128xf32>
    %mul3A_311 = arith.mulf %sub3A_300, %sub3A_300 : vector<128x128xf32>
    %mul3A_312 = arith.mulf %sub3A_305, %sub3A_305 : vector<128x128xf32>
    %add3A_313 = arith.addf %mul3A_311, %mul3A_312 : vector<128x128xf32>
    %mul3A_314 = arith.mulf %sub3A_310, %sub3A_310 : vector<128x128xf32>
    %add3A_315 = arith.addf %add3A_313, %mul3A_314 : vector<128x128xf32>
    %convert_element_type3A_316 = arith.fptosi %add3A_315 : vector<128x128xf32> to vector<128x128xi32>
    %mul3A_317 = arith.constant 1024 : i32
    %mul3A_318 = vector.broadcast %mul3A_317 : i32 to vector<128x128xi32>
    %mul3A_319 = arith.muli %convert_element_type3A_316, %mul3A_318 : vector<128x128xi32>
    %add3A_320 = arith.constant 0 : i32
    %add3A_321 = vector.broadcast %add3A_320 : i32 to vector<128x128xi32>
    %add3A_322 = arith.addi %iota3A_0, %add3A_321 : vector<128x128xi32>
    %add3A_323 = arith.addi %mul3A_319, %add3A_322 : vector<128x128xi32>
    %reduce_min3A_324 = arith.constant dense<2147483647> : vector<128xi32>
    %reduce_min3A_325 = vector.multi_reduction <minsi>, %add3A_323, %reduce_min3A_324 [0] : vector<128x128xi32> to vector<128xi32>
    %broadcast_in_dim3A_326 = vector.shape_cast %reduce_min3A_325 : vector<128xi32> to vector<1x128xi32>
    %get3A_327 = arith.constant 128 : index
    %get3A_328 = arith.constant 0 : index
    %get3A_329 = vector.load %arg4[%get3A_327, %get3A_328] : memref<1024x128xf32, #tpu.memory_space<vmem>>, vector<128x128xf32>
    %sub3A_330 = vector.broadcast %get3A_285 : vector<1x128xf32> to vector<128x128xf32>
    %sub3A_331 = arith.subf %sub3A_330, %get3A_329 : vector<128x128xf32>
    %get3A_332 = arith.constant 128 : index
    %get3A_333 = arith.constant 0 : index
    %get3A_334 = vector.load %arg5[%get3A_332, %get3A_333] : memref<1024x128xf32, #tpu.memory_space<vmem>>, vector<128x128xf32>
    %sub3A_335 = vector.broadcast %get3A_290 : vector<1x128xf32> to vector<128x128xf32>
    %sub3A_336 = arith.subf %sub3A_335, %get3A_334 : vector<128x128xf32>
    %get3A_337 = arith.constant 128 : index
    %get3A_338 = arith.constant 0 : index
    %get3A_339 = vector.load %arg6[%get3A_337, %get3A_338] : memref<1024x128xf32, #tpu.memory_space<vmem>>, vector<128x128xf32>
    %sub3A_340 = vector.broadcast %get3A_295 : vector<1x128xf32> to vector<128x128xf32>
    %sub3A_341 = arith.subf %sub3A_340, %get3A_339 : vector<128x128xf32>
    %mul3A_342 = arith.mulf %sub3A_331, %sub3A_331 : vector<128x128xf32>
    %mul3A_343 = arith.mulf %sub3A_336, %sub3A_336 : vector<128x128xf32>
    %add3A_344 = arith.addf %mul3A_342, %mul3A_343 : vector<128x128xf32>
    %mul3A_345 = arith.mulf %sub3A_341, %sub3A_341 : vector<128x128xf32>
    %add3A_346 = arith.addf %add3A_344, %mul3A_345 : vector<128x128xf32>
    %convert_element_type3A_347 = arith.fptosi %add3A_346 : vector<128x128xf32> to vector<128x128xi32>
    %mul3A_348 = arith.constant 1024 : i32
    %mul3A_349 = vector.broadcast %mul3A_348 : i32 to vector<128x128xi32>
    %mul3A_350 = arith.muli %convert_element_type3A_347, %mul3A_349 : vector<128x128xi32>
    %add3A_351 = arith.constant 128 : i32
    %add3A_352 = vector.broadcast %add3A_351 : i32 to vector<128x128xi32>
    %add3A_353 = arith.addi %iota3A_0, %add3A_352 : vector<128x128xi32>
    %add3A_354 = arith.addi %mul3A_350, %add3A_353 : vector<128x128xi32>
    %reduce_min3A_355 = arith.constant dense<2147483647> : vector<128xi32>
    %reduce_min3A_356 = vector.multi_reduction <minsi>, %add3A_354, %reduce_min3A_355 [0] : vector<128x128xi32> to vector<128xi32>
    %broadcast_in_dim3A_357 = vector.shape_cast %reduce_min3A_356 : vector<128xi32> to vector<1x128xi32>
    %min3A_358 = arith.minsi %broadcast_in_dim3A_326, %broadcast_in_dim3A_357 : vector<1x128xi32>
    %get3A_359 = arith.constant 256 : index
    %get3A_360 = arith.constant 0 : index
    %get3A_361 = vector.load %arg4[%get3A_359, %get3A_360] : memref<1024x128xf32, #tpu.memory_space<vmem>>, vector<128x128xf32>
    %sub3A_362 = vector.broadcast %get3A_285 : vector<1x128xf32> to vector<128x128xf32>
    %sub3A_363 = arith.subf %sub3A_362, %get3A_361 : vector<128x128xf32>
    %get3A_364 = arith.constant 256 : index
    %get3A_365 = arith.constant 0 : index
    %get3A_366 = vector.load %arg5[%get3A_364, %get3A_365] : memref<1024x128xf32, #tpu.memory_space<vmem>>, vector<128x128xf32>
    %sub3A_367 = vector.broadcast %get3A_290 : vector<1x128xf32> to vector<128x128xf32>
    %sub3A_368 = arith.subf %sub3A_367, %get3A_366 : vector<128x128xf32>
    %get3A_369 = arith.constant 256 : index
    %get3A_370 = arith.constant 0 : index
    %get3A_371 = vector.load %arg6[%get3A_369, %get3A_370] : memref<1024x128xf32, #tpu.memory_space<vmem>>, vector<128x128xf32>
    %sub3A_372 = vector.broadcast %get3A_295 : vector<1x128xf32> to vector<128x128xf32>
    %sub3A_373 = arith.subf %sub3A_372, %get3A_371 : vector<128x128xf32>
    %mul3A_374 = arith.mulf %sub3A_363, %sub3A_363 : vector<128x128xf32>
    %mul3A_375 = arith.mulf %sub3A_368, %sub3A_368 : vector<128x128xf32>
    %add3A_376 = arith.addf %mul3A_374, %mul3A_375 : vector<128x128xf32>
    %mul3A_377 = arith.mulf %sub3A_373, %sub3A_373 : vector<128x128xf32>
    %add3A_378 = arith.addf %add3A_376, %mul3A_377 : vector<128x128xf32>
    %convert_element_type3A_379 = arith.fptosi %add3A_378 : vector<128x128xf32> to vector<128x128xi32>
    %mul3A_380 = arith.constant 1024 : i32
    %mul3A_381 = vector.broadcast %mul3A_380 : i32 to vector<128x128xi32>
    %mul3A_382 = arith.muli %convert_element_type3A_379, %mul3A_381 : vector<128x128xi32>
    %add3A_383 = arith.constant 256 : i32
    %add3A_384 = vector.broadcast %add3A_383 : i32 to vector<128x128xi32>
    %add3A_385 = arith.addi %iota3A_0, %add3A_384 : vector<128x128xi32>
    %add3A_386 = arith.addi %mul3A_382, %add3A_385 : vector<128x128xi32>
    %reduce_min3A_387 = arith.constant dense<2147483647> : vector<128xi32>
    %reduce_min3A_388 = vector.multi_reduction <minsi>, %add3A_386, %reduce_min3A_387 [0] : vector<128x128xi32> to vector<128xi32>
    %broadcast_in_dim3A_389 = vector.shape_cast %reduce_min3A_388 : vector<128xi32> to vector<1x128xi32>
    %min3A_390 = arith.minsi %min3A_358, %broadcast_in_dim3A_389 : vector<1x128xi32>
    %get3A_391 = arith.constant 384 : index
    %get3A_392 = arith.constant 0 : index
    %get3A_393 = vector.load %arg4[%get3A_391, %get3A_392] : memref<1024x128xf32, #tpu.memory_space<vmem>>, vector<128x128xf32>
    %sub3A_394 = vector.broadcast %get3A_285 : vector<1x128xf32> to vector<128x128xf32>
    %sub3A_395 = arith.subf %sub3A_394, %get3A_393 : vector<128x128xf32>
    %get3A_396 = arith.constant 384 : index
    %get3A_397 = arith.constant 0 : index
    %get3A_398 = vector.load %arg5[%get3A_396, %get3A_397] : memref<1024x128xf32, #tpu.memory_space<vmem>>, vector<128x128xf32>
    %sub3A_399 = vector.broadcast %get3A_290 : vector<1x128xf32> to vector<128x128xf32>
    %sub3A_400 = arith.subf %sub3A_399, %get3A_398 : vector<128x128xf32>
    %get3A_401 = arith.constant 384 : index
    %get3A_402 = arith.constant 0 : index
    %get3A_403 = vector.load %arg6[%get3A_401, %get3A_402] : memref<1024x128xf32, #tpu.memory_space<vmem>>, vector<128x128xf32>
    %sub3A_404 = vector.broadcast %get3A_295 : vector<1x128xf32> to vector<128x128xf32>
    %sub3A_405 = arith.subf %sub3A_404, %get3A_403 : vector<128x128xf32>
    %mul3A_406 = arith.mulf %sub3A_395, %sub3A_395 : vector<128x128xf32>
    %mul3A_407 = arith.mulf %sub3A_400, %sub3A_400 : vector<128x128xf32>
    %add3A_408 = arith.addf %mul3A_406, %mul3A_407 : vector<128x128xf32>
    %mul3A_409 = arith.mulf %sub3A_405, %sub3A_405 : vector<128x128xf32>
    %add3A_410 = arith.addf %add3A_408, %mul3A_409 : vector<128x128xf32>
    %convert_element_type3A_411 = arith.fptosi %add3A_410 : vector<128x128xf32> to vector<128x128xi32>
    %mul3A_412 = arith.constant 1024 : i32
    %mul3A_413 = vector.broadcast %mul3A_412 : i32 to vector<128x128xi32>
    %mul3A_414 = arith.muli %convert_element_type3A_411, %mul3A_413 : vector<128x128xi32>
    %add3A_415 = arith.constant 384 : i32
    %add3A_416 = vector.broadcast %add3A_415 : i32 to vector<128x128xi32>
    %add3A_417 = arith.addi %iota3A_0, %add3A_416 : vector<128x128xi32>
    %add3A_418 = arith.addi %mul3A_414, %add3A_417 : vector<128x128xi32>
    %reduce_min3A_419 = arith.constant dense<2147483647> : vector<128xi32>
    %reduce_min3A_420 = vector.multi_reduction <minsi>, %add3A_418, %reduce_min3A_419 [0] : vector<128x128xi32> to vector<128xi32>
    %broadcast_in_dim3A_421 = vector.shape_cast %reduce_min3A_420 : vector<128xi32> to vector<1x128xi32>
    %min3A_422 = arith.minsi %min3A_390, %broadcast_in_dim3A_421 : vector<1x128xi32>
    %get3A_423 = arith.constant 512 : index
    %get3A_424 = arith.constant 0 : index
    %get3A_425 = vector.load %arg4[%get3A_423, %get3A_424] : memref<1024x128xf32, #tpu.memory_space<vmem>>, vector<128x128xf32>
    %sub3A_426 = vector.broadcast %get3A_285 : vector<1x128xf32> to vector<128x128xf32>
    %sub3A_427 = arith.subf %sub3A_426, %get3A_425 : vector<128x128xf32>
    %get3A_428 = arith.constant 512 : index
    %get3A_429 = arith.constant 0 : index
    %get3A_430 = vector.load %arg5[%get3A_428, %get3A_429] : memref<1024x128xf32, #tpu.memory_space<vmem>>, vector<128x128xf32>
    %sub3A_431 = vector.broadcast %get3A_290 : vector<1x128xf32> to vector<128x128xf32>
    %sub3A_432 = arith.subf %sub3A_431, %get3A_430 : vector<128x128xf32>
    %get3A_433 = arith.constant 512 : index
    %get3A_434 = arith.constant 0 : index
    %get3A_435 = vector.load %arg6[%get3A_433, %get3A_434] : memref<1024x128xf32, #tpu.memory_space<vmem>>, vector<128x128xf32>
    %sub3A_436 = vector.broadcast %get3A_295 : vector<1x128xf32> to vector<128x128xf32>
    %sub3A_437 = arith.subf %sub3A_436, %get3A_435 : vector<128x128xf32>
    %mul3A_438 = arith.mulf %sub3A_427, %sub3A_427 : vector<128x128xf32>
    %mul3A_439 = arith.mulf %sub3A_432, %sub3A_432 : vector<128x128xf32>
    %add3A_440 = arith.addf %mul3A_438, %mul3A_439 : vector<128x128xf32>
    %mul3A_441 = arith.mulf %sub3A_437, %sub3A_437 : vector<128x128xf32>
    %add3A_442 = arith.addf %add3A_440, %mul3A_441 : vector<128x128xf32>
    %convert_element_type3A_443 = arith.fptosi %add3A_442 : vector<128x128xf32> to vector<128x128xi32>
    %mul3A_444 = arith.constant 1024 : i32
    %mul3A_445 = vector.broadcast %mul3A_444 : i32 to vector<128x128xi32>
    %mul3A_446 = arith.muli %convert_element_type3A_443, %mul3A_445 : vector<128x128xi32>
    %add3A_447 = arith.constant 512 : i32
    %add3A_448 = vector.broadcast %add3A_447 : i32 to vector<128x128xi32>
    %add3A_449 = arith.addi %iota3A_0, %add3A_448 : vector<128x128xi32>
    %add3A_450 = arith.addi %mul3A_446, %add3A_449 : vector<128x128xi32>
    %reduce_min3A_451 = arith.constant dense<2147483647> : vector<128xi32>
    %reduce_min3A_452 = vector.multi_reduction <minsi>, %add3A_450, %reduce_min3A_451 [0] : vector<128x128xi32> to vector<128xi32>
    %broadcast_in_dim3A_453 = vector.shape_cast %reduce_min3A_452 : vector<128xi32> to vector<1x128xi32>
    %min3A_454 = arith.minsi %min3A_422, %broadcast_in_dim3A_453 : vector<1x128xi32>
    %get3A_455 = arith.constant 640 : index
    %get3A_456 = arith.constant 0 : index
    %get3A_457 = vector.load %arg4[%get3A_455, %get3A_456] : memref<1024x128xf32, #tpu.memory_space<vmem>>, vector<128x128xf32>
    %sub3A_458 = vector.broadcast %get3A_285 : vector<1x128xf32> to vector<128x128xf32>
    %sub3A_459 = arith.subf %sub3A_458, %get3A_457 : vector<128x128xf32>
    %get3A_460 = arith.constant 640 : index
    %get3A_461 = arith.constant 0 : index
    %get3A_462 = vector.load %arg5[%get3A_460, %get3A_461] : memref<1024x128xf32, #tpu.memory_space<vmem>>, vector<128x128xf32>
    %sub3A_463 = vector.broadcast %get3A_290 : vector<1x128xf32> to vector<128x128xf32>
    %sub3A_464 = arith.subf %sub3A_463, %get3A_462 : vector<128x128xf32>
    %get3A_465 = arith.constant 640 : index
    %get3A_466 = arith.constant 0 : index
    %get3A_467 = vector.load %arg6[%get3A_465, %get3A_466] : memref<1024x128xf32, #tpu.memory_space<vmem>>, vector<128x128xf32>
    %sub3A_468 = vector.broadcast %get3A_295 : vector<1x128xf32> to vector<128x128xf32>
    %sub3A_469 = arith.subf %sub3A_468, %get3A_467 : vector<128x128xf32>
    %mul3A_470 = arith.mulf %sub3A_459, %sub3A_459 : vector<128x128xf32>
    %mul3A_471 = arith.mulf %sub3A_464, %sub3A_464 : vector<128x128xf32>
    %add3A_472 = arith.addf %mul3A_470, %mul3A_471 : vector<128x128xf32>
    %mul3A_473 = arith.mulf %sub3A_469, %sub3A_469 : vector<128x128xf32>
    %add3A_474 = arith.addf %add3A_472, %mul3A_473 : vector<128x128xf32>
    %convert_element_type3A_475 = arith.fptosi %add3A_474 : vector<128x128xf32> to vector<128x128xi32>
    %mul3A_476 = arith.constant 1024 : i32
    %mul3A_477 = vector.broadcast %mul3A_476 : i32 to vector<128x128xi32>
    %mul3A_478 = arith.muli %convert_element_type3A_475, %mul3A_477 : vector<128x128xi32>
    %add3A_479 = arith.constant 640 : i32
    %add3A_480 = vector.broadcast %add3A_479 : i32 to vector<128x128xi32>
    %add3A_481 = arith.addi %iota3A_0, %add3A_480 : vector<128x128xi32>
    %add3A_482 = arith.addi %mul3A_478, %add3A_481 : vector<128x128xi32>
    %reduce_min3A_483 = arith.constant dense<2147483647> : vector<128xi32>
    %reduce_min3A_484 = vector.multi_reduction <minsi>, %add3A_482, %reduce_min3A_483 [0] : vector<128x128xi32> to vector<128xi32>
    %broadcast_in_dim3A_485 = vector.shape_cast %reduce_min3A_484 : vector<128xi32> to vector<1x128xi32>
    %min3A_486 = arith.minsi %min3A_454, %broadcast_in_dim3A_485 : vector<1x128xi32>
    %get3A_487 = arith.constant 768 : index
    %get3A_488 = arith.constant 0 : index
    %get3A_489 = vector.load %arg4[%get3A_487, %get3A_488] : memref<1024x128xf32, #tpu.memory_space<vmem>>, vector<128x128xf32>
    %sub3A_490 = vector.broadcast %get3A_285 : vector<1x128xf32> to vector<128x128xf32>
    %sub3A_491 = arith.subf %sub3A_490, %get3A_489 : vector<128x128xf32>
    %get3A_492 = arith.constant 768 : index
    %get3A_493 = arith.constant 0 : index
    %get3A_494 = vector.load %arg5[%get3A_492, %get3A_493] : memref<1024x128xf32, #tpu.memory_space<vmem>>, vector<128x128xf32>
    %sub3A_495 = vector.broadcast %get3A_290 : vector<1x128xf32> to vector<128x128xf32>
    %sub3A_496 = arith.subf %sub3A_495, %get3A_494 : vector<128x128xf32>
    %get3A_497 = arith.constant 768 : index
    %get3A_498 = arith.constant 0 : index
    %get3A_499 = vector.load %arg6[%get3A_497, %get3A_498] : memref<1024x128xf32, #tpu.memory_space<vmem>>, vector<128x128xf32>
    %sub3A_500 = vector.broadcast %get3A_295 : vector<1x128xf32> to vector<128x128xf32>
    %sub3A_501 = arith.subf %sub3A_500, %get3A_499 : vector<128x128xf32>
    %mul3A_502 = arith.mulf %sub3A_491, %sub3A_491 : vector<128x128xf32>
    %mul3A_503 = arith.mulf %sub3A_496, %sub3A_496 : vector<128x128xf32>
    %add3A_504 = arith.addf %mul3A_502, %mul3A_503 : vector<128x128xf32>
    %mul3A_505 = arith.mulf %sub3A_501, %sub3A_501 : vector<128x128xf32>
    %add3A_506 = arith.addf %add3A_504, %mul3A_505 : vector<128x128xf32>
    %convert_element_type3A_507 = arith.fptosi %add3A_506 : vector<128x128xf32> to vector<128x128xi32>
    %mul3A_508 = arith.constant 1024 : i32
    %mul3A_509 = vector.broadcast %mul3A_508 : i32 to vector<128x128xi32>
    %mul3A_510 = arith.muli %convert_element_type3A_507, %mul3A_509 : vector<128x128xi32>
    %add3A_511 = arith.constant 768 : i32
    %add3A_512 = vector.broadcast %add3A_511 : i32 to vector<128x128xi32>
    %add3A_513 = arith.addi %iota3A_0, %add3A_512 : vector<128x128xi32>
    %add3A_514 = arith.addi %mul3A_510, %add3A_513 : vector<128x128xi32>
    %reduce_min3A_515 = arith.constant dense<2147483647> : vector<128xi32>
    %reduce_min3A_516 = vector.multi_reduction <minsi>, %add3A_514, %reduce_min3A_515 [0] : vector<128x128xi32> to vector<128xi32>
    %broadcast_in_dim3A_517 = vector.shape_cast %reduce_min3A_516 : vector<128xi32> to vector<1x128xi32>
    %min3A_518 = arith.minsi %min3A_486, %broadcast_in_dim3A_517 : vector<1x128xi32>
    %get3A_519 = arith.constant 896 : index
    %get3A_520 = arith.constant 0 : index
    %get3A_521 = vector.load %arg4[%get3A_519, %get3A_520] : memref<1024x128xf32, #tpu.memory_space<vmem>>, vector<128x128xf32>
    %sub3A_522 = vector.broadcast %get3A_285 : vector<1x128xf32> to vector<128x128xf32>
    %sub3A_523 = arith.subf %sub3A_522, %get3A_521 : vector<128x128xf32>
    %get3A_524 = arith.constant 896 : index
    %get3A_525 = arith.constant 0 : index
    %get3A_526 = vector.load %arg5[%get3A_524, %get3A_525] : memref<1024x128xf32, #tpu.memory_space<vmem>>, vector<128x128xf32>
    %sub3A_527 = vector.broadcast %get3A_290 : vector<1x128xf32> to vector<128x128xf32>
    %sub3A_528 = arith.subf %sub3A_527, %get3A_526 : vector<128x128xf32>
    %get3A_529 = arith.constant 896 : index
    %get3A_530 = arith.constant 0 : index
    %get3A_531 = vector.load %arg6[%get3A_529, %get3A_530] : memref<1024x128xf32, #tpu.memory_space<vmem>>, vector<128x128xf32>
    %sub3A_532 = vector.broadcast %get3A_295 : vector<1x128xf32> to vector<128x128xf32>
    %sub3A_533 = arith.subf %sub3A_532, %get3A_531 : vector<128x128xf32>
    %mul3A_534 = arith.mulf %sub3A_523, %sub3A_523 : vector<128x128xf32>
    %mul3A_535 = arith.mulf %sub3A_528, %sub3A_528 : vector<128x128xf32>
    %add3A_536 = arith.addf %mul3A_534, %mul3A_535 : vector<128x128xf32>
    %mul3A_537 = arith.mulf %sub3A_533, %sub3A_533 : vector<128x128xf32>
    %add3A_538 = arith.addf %add3A_536, %mul3A_537 : vector<128x128xf32>
    %convert_element_type3A_539 = arith.fptosi %add3A_538 : vector<128x128xf32> to vector<128x128xi32>
    %mul3A_540 = arith.constant 1024 : i32
    %mul3A_541 = vector.broadcast %mul3A_540 : i32 to vector<128x128xi32>
    %mul3A_542 = arith.muli %convert_element_type3A_539, %mul3A_541 : vector<128x128xi32>
    %add3A_543 = arith.constant 896 : i32
    %add3A_544 = vector.broadcast %add3A_543 : i32 to vector<128x128xi32>
    %add3A_545 = arith.addi %iota3A_0, %add3A_544 : vector<128x128xi32>
    %add3A_546 = arith.addi %mul3A_542, %add3A_545 : vector<128x128xi32>
    %reduce_min3A_547 = arith.constant dense<2147483647> : vector<128xi32>
    %reduce_min3A_548 = vector.multi_reduction <minsi>, %add3A_546, %reduce_min3A_547 [0] : vector<128x128xi32> to vector<128xi32>
    %broadcast_in_dim3A_549 = vector.shape_cast %reduce_min3A_548 : vector<128xi32> to vector<1x128xi32>
    %min3A_550 = arith.minsi %min3A_518, %broadcast_in_dim3A_549 : vector<1x128xi32>
    %and3A_551 = arith.constant 1023 : i32
    %and3A_552 = vector.broadcast %and3A_551 : i32 to vector<1x128xi32>
    %and3A_553 = arith.andi %min3A_550, %and3A_552 : vector<1x128xi32>
    %eq3A_554 = vector.broadcast %and3A_553 : vector<1x128xi32> to vector<1024x128xi32>
    %eq3A_555 = arith.cmpi eq, %iota3A, %eq3A_554 : vector<1024x128xi32>
    %jit3A_556 = arith.constant 1.000000e+00 : f32
    %jit3A_557 = arith.constant 0.000000e+00 : f32
    %broadcast_in_dim3A_558 = vector.broadcast %jit3A_556 : f32 to vector<1024x128xf32>
    %broadcast_in_dim3A_559 = vector.broadcast %jit3A_557 : f32 to vector<1024x128xf32>
    %select_n3A_560 = arith.select %eq3A_555, %broadcast_in_dim3A_558, %broadcast_in_dim3A_559 : vector<1024x128xi1>, vector<1024x128xf32>
    %convert_element_type3A_561 = arith.truncf %select_n3A_560 : vector<1024x128xf32> to vector<1024x128xbf16>
    %dot_general3A_562 = arith.constant dense<0.000000e+00> : vector<128x128xf32>
    %dot_general3A_563 = tpu.matmul %convert_element_type3A_561, %convert_element_type3A, %dot_general3A_562 {dimension_numbers = #tpu.dot_dimension_numbers<[0], [0], [1], [1], [0, 1, 1, 1], [], []>, transpose_lhs_hint = false} : vector<1024x128xbf16>, vector<1024x128xbf16>, vector<128x128xf32> -> vector<128x128xf32>
    %get3A_564 = arith.constant 128 : index
    %get3A_565 = arith.constant 0 : index
    %get3A_566 = vector.load %arg8[%get3A_564, %get3A_565] : memref<512x128xf32, #tpu.memory_space<vmem>>, vector<128x128xf32>
    %add3A_567 = arith.addf %dot_general3A_563, %get3A_566 : vector<128x128xf32>
    %swap3A_568 = arith.constant 128 : index
    %swap3A_569 = arith.constant 0 : index
    %swap3A_570 = vector.load %arg9[%swap3A_568, %swap3A_569] : memref<512x128xf32, #tpu.memory_space<vmem>>, vector<128x128xf32>
    tpu.vector_store %arg9[%swap3A_568, %swap3A_569], %add3A_567 {strides = array<i32>} : memref<512x128xf32, #tpu.memory_space<vmem>>, vector<128x128xf32>,
    %get3A_571 = arith.constant 0 : index
    %get3A_572 = arith.constant 0 : index
    %get3A_573 = arith.constant 256 : index
    %get3A_574 = vector.load %arg1[%get3A_571, %get3A_572, %get3A_573] : memref<1x1x512xf32, #tpu.memory_space<vmem>>, vector<1x1x128xf32>
    %get3A_575 = vector.shape_cast %get3A_574 : vector<1x1x128xf32> to vector<1x128xf32>
    %get3A_576 = arith.constant 0 : index
    %get3A_577 = arith.constant 0 : index
    %get3A_578 = arith.constant 256 : index
    %get3A_579 = vector.load %arg2[%get3A_576, %get3A_577, %get3A_578] : memref<1x1x512xf32, #tpu.memory_space<vmem>>, vector<1x1x128xf32>
    %get3A_580 = vector.shape_cast %get3A_579 : vector<1x1x128xf32> to vector<1x128xf32>
    %get3A_581 = arith.constant 0 : index
    %get3A_582 = arith.constant 0 : index
    %get3A_583 = arith.constant 256 : index
    %get3A_584 = vector.load %arg3[%get3A_581, %get3A_582, %get3A_583] : memref<1x1x512xf32, #tpu.memory_space<vmem>>, vector<1x1x128xf32>
    %get3A_585 = vector.shape_cast %get3A_584 : vector<1x1x128xf32> to vector<1x128xf32>
    %get3A_586 = arith.constant 0 : index
    %get3A_587 = arith.constant 0 : index
    %get3A_588 = vector.load %arg4[%get3A_586, %get3A_587] : memref<1024x128xf32, #tpu.memory_space<vmem>>, vector<128x128xf32>
    %sub3A_589 = vector.broadcast %get3A_575 : vector<1x128xf32> to vector<128x128xf32>
    %sub3A_590 = arith.subf %sub3A_589, %get3A_588 : vector<128x128xf32>
    %get3A_591 = arith.constant 0 : index
    %get3A_592 = arith.constant 0 : index
    %get3A_593 = vector.load %arg5[%get3A_591, %get3A_592] : memref<1024x128xf32, #tpu.memory_space<vmem>>, vector<128x128xf32>
    %sub3A_594 = vector.broadcast %get3A_580 : vector<1x128xf32> to vector<128x128xf32>
    %sub3A_595 = arith.subf %sub3A_594, %get3A_593 : vector<128x128xf32>
    %get3A_596 = arith.constant 0 : index
    %get3A_597 = arith.constant 0 : index
    %get3A_598 = vector.load %arg6[%get3A_596, %get3A_597] : memref<1024x128xf32, #tpu.memory_space<vmem>>, vector<128x128xf32>
    %sub3A_599 = vector.broadcast %get3A_585 : vector<1x128xf32> to vector<128x128xf32>
    %sub3A_600 = arith.subf %sub3A_599, %get3A_598 : vector<128x128xf32>
    %mul3A_601 = arith.mulf %sub3A_590, %sub3A_590 : vector<128x128xf32>
    %mul3A_602 = arith.mulf %sub3A_595, %sub3A_595 : vector<128x128xf32>
    %add3A_603 = arith.addf %mul3A_601, %mul3A_602 : vector<128x128xf32>
    %mul3A_604 = arith.mulf %sub3A_600, %sub3A_600 : vector<128x128xf32>
    %add3A_605 = arith.addf %add3A_603, %mul3A_604 : vector<128x128xf32>
    %convert_element_type3A_606 = arith.fptosi %add3A_605 : vector<128x128xf32> to vector<128x128xi32>
    %mul3A_607 = arith.constant 1024 : i32
    %mul3A_608 = vector.broadcast %mul3A_607 : i32 to vector<128x128xi32>
    %mul3A_609 = arith.muli %convert_element_type3A_606, %mul3A_608 : vector<128x128xi32>
    %add3A_610 = arith.constant 0 : i32
    %add3A_611 = vector.broadcast %add3A_610 : i32 to vector<128x128xi32>
    %add3A_612 = arith.addi %iota3A_0, %add3A_611 : vector<128x128xi32>
    %add3A_613 = arith.addi %mul3A_609, %add3A_612 : vector<128x128xi32>
    %reduce_min3A_614 = arith.constant dense<2147483647> : vector<128xi32>
    %reduce_min3A_615 = vector.multi_reduction <minsi>, %add3A_613, %reduce_min3A_614 [0] : vector<128x128xi32> to vector<128xi32>
    %broadcast_in_dim3A_616 = vector.shape_cast %reduce_min3A_615 : vector<128xi32> to vector<1x128xi32>
    %get3A_617 = arith.constant 128 : index
    %get3A_618 = arith.constant 0 : index
    %get3A_619 = vector.load %arg4[%get3A_617, %get3A_618] : memref<1024x128xf32, #tpu.memory_space<vmem>>, vector<128x128xf32>
    %sub3A_620 = vector.broadcast %get3A_575 : vector<1x128xf32> to vector<128x128xf32>
    %sub3A_621 = arith.subf %sub3A_620, %get3A_619 : vector<128x128xf32>
    %get3A_622 = arith.constant 128 : index
    %get3A_623 = arith.constant 0 : index
    %get3A_624 = vector.load %arg5[%get3A_622, %get3A_623] : memref<1024x128xf32, #tpu.memory_space<vmem>>, vector<128x128xf32>
    %sub3A_625 = vector.broadcast %get3A_580 : vector<1x128xf32> to vector<128x128xf32>
    %sub3A_626 = arith.subf %sub3A_625, %get3A_624 : vector<128x128xf32>
    %get3A_627 = arith.constant 128 : index
    %get3A_628 = arith.constant 0 : index
    %get3A_629 = vector.load %arg6[%get3A_627, %get3A_628] : memref<1024x128xf32, #tpu.memory_space<vmem>>, vector<128x128xf32>
    %sub3A_630 = vector.broadcast %get3A_585 : vector<1x128xf32> to vector<128x128xf32>
    %sub3A_631 = arith.subf %sub3A_630, %get3A_629 : vector<128x128xf32>
    %mul3A_632 = arith.mulf %sub3A_621, %sub3A_621 : vector<128x128xf32>
    %mul3A_633 = arith.mulf %sub3A_626, %sub3A_626 : vector<128x128xf32>
    %add3A_634 = arith.addf %mul3A_632, %mul3A_633 : vector<128x128xf32>
    %mul3A_635 = arith.mulf %sub3A_631, %sub3A_631 : vector<128x128xf32>
    %add3A_636 = arith.addf %add3A_634, %mul3A_635 : vector<128x128xf32>
    %convert_element_type3A_637 = arith.fptosi %add3A_636 : vector<128x128xf32> to vector<128x128xi32>
    %mul3A_638 = arith.constant 1024 : i32
    %mul3A_639 = vector.broadcast %mul3A_638 : i32 to vector<128x128xi32>
    %mul3A_640 = arith.muli %convert_element_type3A_637, %mul3A_639 : vector<128x128xi32>
    %add3A_641 = arith.constant 128 : i32
    %add3A_642 = vector.broadcast %add3A_641 : i32 to vector<128x128xi32>
    %add3A_643 = arith.addi %iota3A_0, %add3A_642 : vector<128x128xi32>
    %add3A_644 = arith.addi %mul3A_640, %add3A_643 : vector<128x128xi32>
    %reduce_min3A_645 = arith.constant dense<2147483647> : vector<128xi32>
    %reduce_min3A_646 = vector.multi_reduction <minsi>, %add3A_644, %reduce_min3A_645 [0] : vector<128x128xi32> to vector<128xi32>
    %broadcast_in_dim3A_647 = vector.shape_cast %reduce_min3A_646 : vector<128xi32> to vector<1x128xi32>
    %min3A_648 = arith.minsi %broadcast_in_dim3A_616, %broadcast_in_dim3A_647 : vector<1x128xi32>
    %get3A_649 = arith.constant 256 : index
    %get3A_650 = arith.constant 0 : index
    %get3A_651 = vector.load %arg4[%get3A_649, %get3A_650] : memref<1024x128xf32, #tpu.memory_space<vmem>>, vector<128x128xf32>
    %sub3A_652 = vector.broadcast %get3A_575 : vector<1x128xf32> to vector<128x128xf32>
    %sub3A_653 = arith.subf %sub3A_652, %get3A_651 : vector<128x128xf32>
    %get3A_654 = arith.constant 256 : index
    %get3A_655 = arith.constant 0 : index
    %get3A_656 = vector.load %arg5[%get3A_654, %get3A_655] : memref<1024x128xf32, #tpu.memory_space<vmem>>, vector<128x128xf32>
    %sub3A_657 = vector.broadcast %get3A_580 : vector<1x128xf32> to vector<128x128xf32>
    %sub3A_658 = arith.subf %sub3A_657, %get3A_656 : vector<128x128xf32>
    %get3A_659 = arith.constant 256 : index
    %get3A_660 = arith.constant 0 : index
    %get3A_661 = vector.load %arg6[%get3A_659, %get3A_660] : memref<1024x128xf32, #tpu.memory_space<vmem>>, vector<128x128xf32>
    %sub3A_662 = vector.broadcast %get3A_585 : vector<1x128xf32> to vector<128x128xf32>
    %sub3A_663 = arith.subf %sub3A_662, %get3A_661 : vector<128x128xf32>
    %mul3A_664 = arith.mulf %sub3A_653, %sub3A_653 : vector<128x128xf32>
    %mul3A_665 = arith.mulf %sub3A_658, %sub3A_658 : vector<128x128xf32>
    %add3A_666 = arith.addf %mul3A_664, %mul3A_665 : vector<128x128xf32>
    %mul3A_667 = arith.mulf %sub3A_663, %sub3A_663 : vector<128x128xf32>
    %add3A_668 = arith.addf %add3A_666, %mul3A_667 : vector<128x128xf32>
    %convert_element_type3A_669 = arith.fptosi %add3A_668 : vector<128x128xf32> to vector<128x128xi32>
    %mul3A_670 = arith.constant 1024 : i32
    %mul3A_671 = vector.broadcast %mul3A_670 : i32 to vector<128x128xi32>
    %mul3A_672 = arith.muli %convert_element_type3A_669, %mul3A_671 : vector<128x128xi32>
    %add3A_673 = arith.constant 256 : i32
    %add3A_674 = vector.broadcast %add3A_673 : i32 to vector<128x128xi32>
    %add3A_675 = arith.addi %iota3A_0, %add3A_674 : vector<128x128xi32>
    %add3A_676 = arith.addi %mul3A_672, %add3A_675 : vector<128x128xi32>
    %reduce_min3A_677 = arith.constant dense<2147483647> : vector<128xi32>
    %reduce_min3A_678 = vector.multi_reduction <minsi>, %add3A_676, %reduce_min3A_677 [0] : vector<128x128xi32> to vector<128xi32>
    %broadcast_in_dim3A_679 = vector.shape_cast %reduce_min3A_678 : vector<128xi32> to vector<1x128xi32>
    %min3A_680 = arith.minsi %min3A_648, %broadcast_in_dim3A_679 : vector<1x128xi32>
    %get3A_681 = arith.constant 384 : index
    %get3A_682 = arith.constant 0 : index
    %get3A_683 = vector.load %arg4[%get3A_681, %get3A_682] : memref<1024x128xf32, #tpu.memory_space<vmem>>, vector<128x128xf32>
    %sub3A_684 = vector.broadcast %get3A_575 : vector<1x128xf32> to vector<128x128xf32>
    %sub3A_685 = arith.subf %sub3A_684, %get3A_683 : vector<128x128xf32>
    %get3A_686 = arith.constant 384 : index
    %get3A_687 = arith.constant 0 : index
    %get3A_688 = vector.load %arg5[%get3A_686, %get3A_687] : memref<1024x128xf32, #tpu.memory_space<vmem>>, vector<128x128xf32>
    %sub3A_689 = vector.broadcast %get3A_580 : vector<1x128xf32> to vector<128x128xf32>
    %sub3A_690 = arith.subf %sub3A_689, %get3A_688 : vector<128x128xf32>
    %get3A_691 = arith.constant 384 : index
    %get3A_692 = arith.constant 0 : index
    %get3A_693 = vector.load %arg6[%get3A_691, %get3A_692] : memref<1024x128xf32, #tpu.memory_space<vmem>>, vector<128x128xf32>
    %sub3A_694 = vector.broadcast %get3A_585 : vector<1x128xf32> to vector<128x128xf32>
    %sub3A_695 = arith.subf %sub3A_694, %get3A_693 : vector<128x128xf32>
    %mul3A_696 = arith.mulf %sub3A_685, %sub3A_685 : vector<128x128xf32>
    %mul3A_697 = arith.mulf %sub3A_690, %sub3A_690 : vector<128x128xf32>
    %add3A_698 = arith.addf %mul3A_696, %mul3A_697 : vector<128x128xf32>
    %mul3A_699 = arith.mulf %sub3A_695, %sub3A_695 : vector<128x128xf32>
    %add3A_700 = arith.addf %add3A_698, %mul3A_699 : vector<128x128xf32>
    %convert_element_type3A_701 = arith.fptosi %add3A_700 : vector<128x128xf32> to vector<128x128xi32>
    %mul3A_702 = arith.constant 1024 : i32
    %mul3A_703 = vector.broadcast %mul3A_702 : i32 to vector<128x128xi32>
    %mul3A_704 = arith.muli %convert_element_type3A_701, %mul3A_703 : vector<128x128xi32>
    %add3A_705 = arith.constant 384 : i32
    %add3A_706 = vector.broadcast %add3A_705 : i32 to vector<128x128xi32>
    %add3A_707 = arith.addi %iota3A_0, %add3A_706 : vector<128x128xi32>
    %add3A_708 = arith.addi %mul3A_704, %add3A_707 : vector<128x128xi32>
    %reduce_min3A_709 = arith.constant dense<2147483647> : vector<128xi32>
    %reduce_min3A_710 = vector.multi_reduction <minsi>, %add3A_708, %reduce_min3A_709 [0] : vector<128x128xi32> to vector<128xi32>
    %broadcast_in_dim3A_711 = vector.shape_cast %reduce_min3A_710 : vector<128xi32> to vector<1x128xi32>
    %min3A_712 = arith.minsi %min3A_680, %broadcast_in_dim3A_711 : vector<1x128xi32>
    %get3A_713 = arith.constant 512 : index
    %get3A_714 = arith.constant 0 : index
    %get3A_715 = vector.load %arg4[%get3A_713, %get3A_714] : memref<1024x128xf32, #tpu.memory_space<vmem>>, vector<128x128xf32>
    %sub3A_716 = vector.broadcast %get3A_575 : vector<1x128xf32> to vector<128x128xf32>
    %sub3A_717 = arith.subf %sub3A_716, %get3A_715 : vector<128x128xf32>
    %get3A_718 = arith.constant 512 : index
    %get3A_719 = arith.constant 0 : index
    %get3A_720 = vector.load %arg5[%get3A_718, %get3A_719] : memref<1024x128xf32, #tpu.memory_space<vmem>>, vector<128x128xf32>
    %sub3A_721 = vector.broadcast %get3A_580 : vector<1x128xf32> to vector<128x128xf32>
    %sub3A_722 = arith.subf %sub3A_721, %get3A_720 : vector<128x128xf32>
    %get3A_723 = arith.constant 512 : index
    %get3A_724 = arith.constant 0 : index
    %get3A_725 = vector.load %arg6[%get3A_723, %get3A_724] : memref<1024x128xf32, #tpu.memory_space<vmem>>, vector<128x128xf32>
    %sub3A_726 = vector.broadcast %get3A_585 : vector<1x128xf32> to vector<128x128xf32>
    %sub3A_727 = arith.subf %sub3A_726, %get3A_725 : vector<128x128xf32>
    %mul3A_728 = arith.mulf %sub3A_717, %sub3A_717 : vector<128x128xf32>
    %mul3A_729 = arith.mulf %sub3A_722, %sub3A_722 : vector<128x128xf32>
    %add3A_730 = arith.addf %mul3A_728, %mul3A_729 : vector<128x128xf32>
    %mul3A_731 = arith.mulf %sub3A_727, %sub3A_727 : vector<128x128xf32>
    %add3A_732 = arith.addf %add3A_730, %mul3A_731 : vector<128x128xf32>
    %convert_element_type3A_733 = arith.fptosi %add3A_732 : vector<128x128xf32> to vector<128x128xi32>
    %mul3A_734 = arith.constant 1024 : i32
    %mul3A_735 = vector.broadcast %mul3A_734 : i32 to vector<128x128xi32>
    %mul3A_736 = arith.muli %convert_element_type3A_733, %mul3A_735 : vector<128x128xi32>
    %add3A_737 = arith.constant 512 : i32
    %add3A_738 = vector.broadcast %add3A_737 : i32 to vector<128x128xi32>
    %add3A_739 = arith.addi %iota3A_0, %add3A_738 : vector<128x128xi32>
    %add3A_740 = arith.addi %mul3A_736, %add3A_739 : vector<128x128xi32>
    %reduce_min3A_741 = arith.constant dense<2147483647> : vector<128xi32>
    %reduce_min3A_742 = vector.multi_reduction <minsi>, %add3A_740, %reduce_min3A_741 [0] : vector<128x128xi32> to vector<128xi32>
    %broadcast_in_dim3A_743 = vector.shape_cast %reduce_min3A_742 : vector<128xi32> to vector<1x128xi32>
    %min3A_744 = arith.minsi %min3A_712, %broadcast_in_dim3A_743 : vector<1x128xi32>
    %get3A_745 = arith.constant 640 : index
    %get3A_746 = arith.constant 0 : index
    %get3A_747 = vector.load %arg4[%get3A_745, %get3A_746] : memref<1024x128xf32, #tpu.memory_space<vmem>>, vector<128x128xf32>
    %sub3A_748 = vector.broadcast %get3A_575 : vector<1x128xf32> to vector<128x128xf32>
    %sub3A_749 = arith.subf %sub3A_748, %get3A_747 : vector<128x128xf32>
    %get3A_750 = arith.constant 640 : index
    %get3A_751 = arith.constant 0 : index
    %get3A_752 = vector.load %arg5[%get3A_750, %get3A_751] : memref<1024x128xf32, #tpu.memory_space<vmem>>, vector<128x128xf32>
    %sub3A_753 = vector.broadcast %get3A_580 : vector<1x128xf32> to vector<128x128xf32>
    %sub3A_754 = arith.subf %sub3A_753, %get3A_752 : vector<128x128xf32>
    %get3A_755 = arith.constant 640 : index
    %get3A_756 = arith.constant 0 : index
    %get3A_757 = vector.load %arg6[%get3A_755, %get3A_756] : memref<1024x128xf32, #tpu.memory_space<vmem>>, vector<128x128xf32>
    %sub3A_758 = vector.broadcast %get3A_585 : vector<1x128xf32> to vector<128x128xf32>
    %sub3A_759 = arith.subf %sub3A_758, %get3A_757 : vector<128x128xf32>
    %mul3A_760 = arith.mulf %sub3A_749, %sub3A_749 : vector<128x128xf32>
    %mul3A_761 = arith.mulf %sub3A_754, %sub3A_754 : vector<128x128xf32>
    %add3A_762 = arith.addf %mul3A_760, %mul3A_761 : vector<128x128xf32>
    %mul3A_763 = arith.mulf %sub3A_759, %sub3A_759 : vector<128x128xf32>
    %add3A_764 = arith.addf %add3A_762, %mul3A_763 : vector<128x128xf32>
    %convert_element_type3A_765 = arith.fptosi %add3A_764 : vector<128x128xf32> to vector<128x128xi32>
    %mul3A_766 = arith.constant 1024 : i32
    %mul3A_767 = vector.broadcast %mul3A_766 : i32 to vector<128x128xi32>
    %mul3A_768 = arith.muli %convert_element_type3A_765, %mul3A_767 : vector<128x128xi32>
    %add3A_769 = arith.constant 640 : i32
    %add3A_770 = vector.broadcast %add3A_769 : i32 to vector<128x128xi32>
    %add3A_771 = arith.addi %iota3A_0, %add3A_770 : vector<128x128xi32>
    %add3A_772 = arith.addi %mul3A_768, %add3A_771 : vector<128x128xi32>
    %reduce_min3A_773 = arith.constant dense<2147483647> : vector<128xi32>
    %reduce_min3A_774 = vector.multi_reduction <minsi>, %add3A_772, %reduce_min3A_773 [0] : vector<128x128xi32> to vector<128xi32>
    %broadcast_in_dim3A_775 = vector.shape_cast %reduce_min3A_774 : vector<128xi32> to vector<1x128xi32>
    %min3A_776 = arith.minsi %min3A_744, %broadcast_in_dim3A_775 : vector<1x128xi32>
    %get3A_777 = arith.constant 768 : index
    %get3A_778 = arith.constant 0 : index
    %get3A_779 = vector.load %arg4[%get3A_777, %get3A_778] : memref<1024x128xf32, #tpu.memory_space<vmem>>, vector<128x128xf32>
    %sub3A_780 = vector.broadcast %get3A_575 : vector<1x128xf32> to vector<128x128xf32>
    %sub3A_781 = arith.subf %sub3A_780, %get3A_779 : vector<128x128xf32>
    %get3A_782 = arith.constant 768 : index
    %get3A_783 = arith.constant 0 : index
    %get3A_784 = vector.load %arg5[%get3A_782, %get3A_783] : memref<1024x128xf32, #tpu.memory_space<vmem>>, vector<128x128xf32>
    %sub3A_785 = vector.broadcast %get3A_580 : vector<1x128xf32> to vector<128x128xf32>
    %sub3A_786 = arith.subf %sub3A_785, %get3A_784 : vector<128x128xf32>
    %get3A_787 = arith.constant 768 : index
    %get3A_788 = arith.constant 0 : index
    %get3A_789 = vector.load %arg6[%get3A_787, %get3A_788] : memref<1024x128xf32, #tpu.memory_space<vmem>>, vector<128x128xf32>
    %sub3A_790 = vector.broadcast %get3A_585 : vector<1x128xf32> to vector<128x128xf32>
    %sub3A_791 = arith.subf %sub3A_790, %get3A_789 : vector<128x128xf32>
    %mul3A_792 = arith.mulf %sub3A_781, %sub3A_781 : vector<128x128xf32>
    %mul3A_793 = arith.mulf %sub3A_786, %sub3A_786 : vector<128x128xf32>
    %add3A_794 = arith.addf %mul3A_792, %mul3A_793 : vector<128x128xf32>
    %mul3A_795 = arith.mulf %sub3A_791, %sub3A_791 : vector<128x128xf32>
    %add3A_796 = arith.addf %add3A_794, %mul3A_795 : vector<128x128xf32>
    %convert_element_type3A_797 = arith.fptosi %add3A_796 : vector<128x128xf32> to vector<128x128xi32>
    %mul3A_798 = arith.constant 1024 : i32
    %mul3A_799 = vector.broadcast %mul3A_798 : i32 to vector<128x128xi32>
    %mul3A_800 = arith.muli %convert_element_type3A_797, %mul3A_799 : vector<128x128xi32>
    %add3A_801 = arith.constant 768 : i32
    %add3A_802 = vector.broadcast %add3A_801 : i32 to vector<128x128xi32>
    %add3A_803 = arith.addi %iota3A_0, %add3A_802 : vector<128x128xi32>
    %add3A_804 = arith.addi %mul3A_800, %add3A_803 : vector<128x128xi32>
    %reduce_min3A_805 = arith.constant dense<2147483647> : vector<128xi32>
    %reduce_min3A_806 = vector.multi_reduction <minsi>, %add3A_804, %reduce_min3A_805 [0] : vector<128x128xi32> to vector<128xi32>
    %broadcast_in_dim3A_807 = vector.shape_cast %reduce_min3A_806 : vector<128xi32> to vector<1x128xi32>
    %min3A_808 = arith.minsi %min3A_776, %broadcast_in_dim3A_807 : vector<1x128xi32>
    %get3A_809 = arith.constant 896 : index
    %get3A_810 = arith.constant 0 : index
    %get3A_811 = vector.load %arg4[%get3A_809, %get3A_810] : memref<1024x128xf32, #tpu.memory_space<vmem>>, vector<128x128xf32>
    %sub3A_812 = vector.broadcast %get3A_575 : vector<1x128xf32> to vector<128x128xf32>
    %sub3A_813 = arith.subf %sub3A_812, %get3A_811 : vector<128x128xf32>
    %get3A_814 = arith.constant 896 : index
    %get3A_815 = arith.constant 0 : index
    %get3A_816 = vector.load %arg5[%get3A_814, %get3A_815] : memref<1024x128xf32, #tpu.memory_space<vmem>>, vector<128x128xf32>
    %sub3A_817 = vector.broadcast %get3A_580 : vector<1x128xf32> to vector<128x128xf32>
    %sub3A_818 = arith.subf %sub3A_817, %get3A_816 : vector<128x128xf32>
    %get3A_819 = arith.constant 896 : index
    %get3A_820 = arith.constant 0 : index
    %get3A_821 = vector.load %arg6[%get3A_819, %get3A_820] : memref<1024x128xf32, #tpu.memory_space<vmem>>, vector<128x128xf32>
    %sub3A_822 = vector.broadcast %get3A_585 : vector<1x128xf32> to vector<128x128xf32>
    %sub3A_823 = arith.subf %sub3A_822, %get3A_821 : vector<128x128xf32>
    %mul3A_824 = arith.mulf %sub3A_813, %sub3A_813 : vector<128x128xf32>
    %mul3A_825 = arith.mulf %sub3A_818, %sub3A_818 : vector<128x128xf32>
    %add3A_826 = arith.addf %mul3A_824, %mul3A_825 : vector<128x128xf32>
    %mul3A_827 = arith.mulf %sub3A_823, %sub3A_823 : vector<128x128xf32>
    %add3A_828 = arith.addf %add3A_826, %mul3A_827 : vector<128x128xf32>
    %convert_element_type3A_829 = arith.fptosi %add3A_828 : vector<128x128xf32> to vector<128x128xi32>
    %mul3A_830 = arith.constant 1024 : i32
    %mul3A_831 = vector.broadcast %mul3A_830 : i32 to vector<128x128xi32>
    %mul3A_832 = arith.muli %convert_element_type3A_829, %mul3A_831 : vector<128x128xi32>
    %add3A_833 = arith.constant 896 : i32
    %add3A_834 = vector.broadcast %add3A_833 : i32 to vector<128x128xi32>
    %add3A_835 = arith.addi %iota3A_0, %add3A_834 : vector<128x128xi32>
    %add3A_836 = arith.addi %mul3A_832, %add3A_835 : vector<128x128xi32>
    %reduce_min3A_837 = arith.constant dense<2147483647> : vector<128xi32>
    %reduce_min3A_838 = vector.multi_reduction <minsi>, %add3A_836, %reduce_min3A_837 [0] : vector<128x128xi32> to vector<128xi32>
    %broadcast_in_dim3A_839 = vector.shape_cast %reduce_min3A_838 : vector<128xi32> to vector<1x128xi32>
    %min3A_840 = arith.minsi %min3A_808, %broadcast_in_dim3A_839 : vector<1x128xi32>
    %and3A_841 = arith.constant 1023 : i32
    %and3A_842 = vector.broadcast %and3A_841 : i32 to vector<1x128xi32>
    %and3A_843 = arith.andi %min3A_840, %and3A_842 : vector<1x128xi32>
    %eq3A_844 = vector.broadcast %and3A_843 : vector<1x128xi32> to vector<1024x128xi32>
    %eq3A_845 = arith.cmpi eq, %iota3A, %eq3A_844 : vector<1024x128xi32>
    %jit3A_846 = arith.constant 1.000000e+00 : f32
    %jit3A_847 = arith.constant 0.000000e+00 : f32
    %broadcast_in_dim3A_848 = vector.broadcast %jit3A_846 : f32 to vector<1024x128xf32>
    %broadcast_in_dim3A_849 = vector.broadcast %jit3A_847 : f32 to vector<1024x128xf32>
    %select_n3A_850 = arith.select %eq3A_845, %broadcast_in_dim3A_848, %broadcast_in_dim3A_849 : vector<1024x128xi1>, vector<1024x128xf32>
    %convert_element_type3A_851 = arith.truncf %select_n3A_850 : vector<1024x128xf32> to vector<1024x128xbf16>
    %dot_general3A_852 = arith.constant dense<0.000000e+00> : vector<128x128xf32>
    %dot_general3A_853 = tpu.matmul %convert_element_type3A_851, %convert_element_type3A, %dot_general3A_852 {dimension_numbers = #tpu.dot_dimension_numbers<[0], [0], [1], [1], [0, 1, 1, 1], [], []>, transpose_lhs_hint = false} : vector<1024x128xbf16>, vector<1024x128xbf16>, vector<128x128xf32> -> vector<128x128xf32>
    %get3A_854 = arith.constant 256 : index
    %get3A_855 = arith.constant 0 : index
    %get3A_856 = vector.load %arg8[%get3A_854, %get3A_855] : memref<512x128xf32, #tpu.memory_space<vmem>>, vector<128x128xf32>
    %add3A_857 = arith.addf %dot_general3A_853, %get3A_856 : vector<128x128xf32>
    %swap3A_858 = arith.constant 256 : index
    %swap3A_859 = arith.constant 0 : index
    %swap3A_860 = vector.load %arg9[%swap3A_858, %swap3A_859] : memref<512x128xf32, #tpu.memory_space<vmem>>, vector<128x128xf32>
    tpu.vector_store %arg9[%swap3A_858, %swap3A_859], %add3A_857 {strides = array<i32>} : memref<512x128xf32, #tpu.memory_space<vmem>>, vector<128x128xf32>,
    %get3A_861 = arith.constant 0 : index
    %get3A_862 = arith.constant 0 : index
    %get3A_863 = arith.constant 384 : index
    %get3A_864 = vector.load %arg1[%get3A_861, %get3A_862, %get3A_863] : memref<1x1x512xf32, #tpu.memory_space<vmem>>, vector<1x1x128xf32>
    %get3A_865 = vector.shape_cast %get3A_864 : vector<1x1x128xf32> to vector<1x128xf32>
    %get3A_866 = arith.constant 0 : index
    %get3A_867 = arith.constant 0 : index
    %get3A_868 = arith.constant 384 : index
    %get3A_869 = vector.load %arg2[%get3A_866, %get3A_867, %get3A_868] : memref<1x1x512xf32, #tpu.memory_space<vmem>>, vector<1x1x128xf32>
    %get3A_870 = vector.shape_cast %get3A_869 : vector<1x1x128xf32> to vector<1x128xf32>
    %get3A_871 = arith.constant 0 : index
    %get3A_872 = arith.constant 0 : index
    %get3A_873 = arith.constant 384 : index
    %get3A_874 = vector.load %arg3[%get3A_871, %get3A_872, %get3A_873] : memref<1x1x512xf32, #tpu.memory_space<vmem>>, vector<1x1x128xf32>
    %get3A_875 = vector.shape_cast %get3A_874 : vector<1x1x128xf32> to vector<1x128xf32>
    %get3A_876 = arith.constant 0 : index
    %get3A_877 = arith.constant 0 : index
    %get3A_878 = vector.load %arg4[%get3A_876, %get3A_877] : memref<1024x128xf32, #tpu.memory_space<vmem>>, vector<128x128xf32>
    %sub3A_879 = vector.broadcast %get3A_865 : vector<1x128xf32> to vector<128x128xf32>
    %sub3A_880 = arith.subf %sub3A_879, %get3A_878 : vector<128x128xf32>
    %get3A_881 = arith.constant 0 : index
    %get3A_882 = arith.constant 0 : index
    %get3A_883 = vector.load %arg5[%get3A_881, %get3A_882] : memref<1024x128xf32, #tpu.memory_space<vmem>>, vector<128x128xf32>
    %sub3A_884 = vector.broadcast %get3A_870 : vector<1x128xf32> to vector<128x128xf32>
    %sub3A_885 = arith.subf %sub3A_884, %get3A_883 : vector<128x128xf32>
    %get3A_886 = arith.constant 0 : index
    %get3A_887 = arith.constant 0 : index
    %get3A_888 = vector.load %arg6[%get3A_886, %get3A_887] : memref<1024x128xf32, #tpu.memory_space<vmem>>, vector<128x128xf32>
    %sub3A_889 = vector.broadcast %get3A_875 : vector<1x128xf32> to vector<128x128xf32>
    %sub3A_890 = arith.subf %sub3A_889, %get3A_888 : vector<128x128xf32>
    %mul3A_891 = arith.mulf %sub3A_880, %sub3A_880 : vector<128x128xf32>
    %mul3A_892 = arith.mulf %sub3A_885, %sub3A_885 : vector<128x128xf32>
    %add3A_893 = arith.addf %mul3A_891, %mul3A_892 : vector<128x128xf32>
    %mul3A_894 = arith.mulf %sub3A_890, %sub3A_890 : vector<128x128xf32>
    %add3A_895 = arith.addf %add3A_893, %mul3A_894 : vector<128x128xf32>
    %convert_element_type3A_896 = arith.fptosi %add3A_895 : vector<128x128xf32> to vector<128x128xi32>
    %mul3A_897 = arith.constant 1024 : i32
    %mul3A_898 = vector.broadcast %mul3A_897 : i32 to vector<128x128xi32>
    %mul3A_899 = arith.muli %convert_element_type3A_896, %mul3A_898 : vector<128x128xi32>
    %add3A_900 = arith.constant 0 : i32
    %add3A_901 = vector.broadcast %add3A_900 : i32 to vector<128x128xi32>
    %add3A_902 = arith.addi %iota3A_0, %add3A_901 : vector<128x128xi32>
    %add3A_903 = arith.addi %mul3A_899, %add3A_902 : vector<128x128xi32>
    %reduce_min3A_904 = arith.constant dense<2147483647> : vector<128xi32>
    %reduce_min3A_905 = vector.multi_reduction <minsi>, %add3A_903, %reduce_min3A_904 [0] : vector<128x128xi32> to vector<128xi32>
    %broadcast_in_dim3A_906 = vector.shape_cast %reduce_min3A_905 : vector<128xi32> to vector<1x128xi32>
    %get3A_907 = arith.constant 128 : index
    %get3A_908 = arith.constant 0 : index
    %get3A_909 = vector.load %arg4[%get3A_907, %get3A_908] : memref<1024x128xf32, #tpu.memory_space<vmem>>, vector<128x128xf32>
    %sub3A_910 = vector.broadcast %get3A_865 : vector<1x128xf32> to vector<128x128xf32>
    %sub3A_911 = arith.subf %sub3A_910, %get3A_909 : vector<128x128xf32>
    %get3A_912 = arith.constant 128 : index
    %get3A_913 = arith.constant 0 : index
    %get3A_914 = vector.load %arg5[%get3A_912, %get3A_913] : memref<1024x128xf32, #tpu.memory_space<vmem>>, vector<128x128xf32>
    %sub3A_915 = vector.broadcast %get3A_870 : vector<1x128xf32> to vector<128x128xf32>
    %sub3A_916 = arith.subf %sub3A_915, %get3A_914 : vector<128x128xf32>
    %get3A_917 = arith.constant 128 : index
    %get3A_918 = arith.constant 0 : index
    %get3A_919 = vector.load %arg6[%get3A_917, %get3A_918] : memref<1024x128xf32, #tpu.memory_space<vmem>>, vector<128x128xf32>
    %sub3A_920 = vector.broadcast %get3A_875 : vector<1x128xf32> to vector<128x128xf32>
    %sub3A_921 = arith.subf %sub3A_920, %get3A_919 : vector<128x128xf32>
    %mul3A_922 = arith.mulf %sub3A_911, %sub3A_911 : vector<128x128xf32>
    %mul3A_923 = arith.mulf %sub3A_916, %sub3A_916 : vector<128x128xf32>
    %add3A_924 = arith.addf %mul3A_922, %mul3A_923 : vector<128x128xf32>
    %mul3A_925 = arith.mulf %sub3A_921, %sub3A_921 : vector<128x128xf32>
    %add3A_926 = arith.addf %add3A_924, %mul3A_925 : vector<128x128xf32>
    %convert_element_type3A_927 = arith.fptosi %add3A_926 : vector<128x128xf32> to vector<128x128xi32>
    %mul3A_928 = arith.constant 1024 : i32
    %mul3A_929 = vector.broadcast %mul3A_928 : i32 to vector<128x128xi32>
    %mul3A_930 = arith.muli %convert_element_type3A_927, %mul3A_929 : vector<128x128xi32>
    %add3A_931 = arith.constant 128 : i32
    %add3A_932 = vector.broadcast %add3A_931 : i32 to vector<128x128xi32>
    %add3A_933 = arith.addi %iota3A_0, %add3A_932 : vector<128x128xi32>
    %add3A_934 = arith.addi %mul3A_930, %add3A_933 : vector<128x128xi32>
    %reduce_min3A_935 = arith.constant dense<2147483647> : vector<128xi32>
    %reduce_min3A_936 = vector.multi_reduction <minsi>, %add3A_934, %reduce_min3A_935 [0] : vector<128x128xi32> to vector<128xi32>
    %broadcast_in_dim3A_937 = vector.shape_cast %reduce_min3A_936 : vector<128xi32> to vector<1x128xi32>
    %min3A_938 = arith.minsi %broadcast_in_dim3A_906, %broadcast_in_dim3A_937 : vector<1x128xi32>
    %get3A_939 = arith.constant 256 : index
    %get3A_940 = arith.constant 0 : index
    %get3A_941 = vector.load %arg4[%get3A_939, %get3A_940] : memref<1024x128xf32, #tpu.memory_space<vmem>>, vector<128x128xf32>
    %sub3A_942 = vector.broadcast %get3A_865 : vector<1x128xf32> to vector<128x128xf32>
    %sub3A_943 = arith.subf %sub3A_942, %get3A_941 : vector<128x128xf32>
    %get3A_944 = arith.constant 256 : index
    %get3A_945 = arith.constant 0 : index
    %get3A_946 = vector.load %arg5[%get3A_944, %get3A_945] : memref<1024x128xf32, #tpu.memory_space<vmem>>, vector<128x128xf32>
    %sub3A_947 = vector.broadcast %get3A_870 : vector<1x128xf32> to vector<128x128xf32>
    %sub3A_948 = arith.subf %sub3A_947, %get3A_946 : vector<128x128xf32>
    %get3A_949 = arith.constant 256 : index
    %get3A_950 = arith.constant 0 : index
    %get3A_951 = vector.load %arg6[%get3A_949, %get3A_950] : memref<1024x128xf32, #tpu.memory_space<vmem>>, vector<128x128xf32>
    %sub3A_952 = vector.broadcast %get3A_875 : vector<1x128xf32> to vector<128x128xf32>
    %sub3A_953 = arith.subf %sub3A_952, %get3A_951 : vector<128x128xf32>
    %mul3A_954 = arith.mulf %sub3A_943, %sub3A_943 : vector<128x128xf32>
    %mul3A_955 = arith.mulf %sub3A_948, %sub3A_948 : vector<128x128xf32>
    %add3A_956 = arith.addf %mul3A_954, %mul3A_955 : vector<128x128xf32>
    %mul3A_957 = arith.mulf %sub3A_953, %sub3A_953 : vector<128x128xf32>
    %add3A_958 = arith.addf %add3A_956, %mul3A_957 : vector<128x128xf32>
    %convert_element_type3A_959 = arith.fptosi %add3A_958 : vector<128x128xf32> to vector<128x128xi32>
    %mul3A_960 = arith.constant 1024 : i32
    %mul3A_961 = vector.broadcast %mul3A_960 : i32 to vector<128x128xi32>
    %mul3A_962 = arith.muli %convert_element_type3A_959, %mul3A_961 : vector<128x128xi32>
    %add3A_963 = arith.constant 256 : i32
    %add3A_964 = vector.broadcast %add3A_963 : i32 to vector<128x128xi32>
    %add3A_965 = arith.addi %iota3A_0, %add3A_964 : vector<128x128xi32>
    %add3A_966 = arith.addi %mul3A_962, %add3A_965 : vector<128x128xi32>
    %reduce_min3A_967 = arith.constant dense<2147483647> : vector<128xi32>
    %reduce_min3A_968 = vector.multi_reduction <minsi>, %add3A_966, %reduce_min3A_967 [0] : vector<128x128xi32> to vector<128xi32>
    %broadcast_in_dim3A_969 = vector.shape_cast %reduce_min3A_968 : vector<128xi32> to vector<1x128xi32>
    %min3A_970 = arith.minsi %min3A_938, %broadcast_in_dim3A_969 : vector<1x128xi32>
    %get3A_971 = arith.constant 384 : index
    %get3A_972 = arith.constant 0 : index
    %get3A_973 = vector.load %arg4[%get3A_971, %get3A_972] : memref<1024x128xf32, #tpu.memory_space<vmem>>, vector<128x128xf32>
    %sub3A_974 = vector.broadcast %get3A_865 : vector<1x128xf32> to vector<128x128xf32>
    %sub3A_975 = arith.subf %sub3A_974, %get3A_973 : vector<128x128xf32>
    %get3A_976 = arith.constant 384 : index
    %get3A_977 = arith.constant 0 : index
    %get3A_978 = vector.load %arg5[%get3A_976, %get3A_977] : memref<1024x128xf32, #tpu.memory_space<vmem>>, vector<128x128xf32>
    %sub3A_979 = vector.broadcast %get3A_870 : vector<1x128xf32> to vector<128x128xf32>
    %sub3A_980 = arith.subf %sub3A_979, %get3A_978 : vector<128x128xf32>
    %get3A_981 = arith.constant 384 : index
    %get3A_982 = arith.constant 0 : index
    %get3A_983 = vector.load %arg6[%get3A_981, %get3A_982] : memref<1024x128xf32, #tpu.memory_space<vmem>>, vector<128x128xf32>
    %sub3A_984 = vector.broadcast %get3A_875 : vector<1x128xf32> to vector<128x128xf32>
    %sub3A_985 = arith.subf %sub3A_984, %get3A_983 : vector<128x128xf32>
    %mul3A_986 = arith.mulf %sub3A_975, %sub3A_975 : vector<128x128xf32>
    %mul3A_987 = arith.mulf %sub3A_980, %sub3A_980 : vector<128x128xf32>
    %add3A_988 = arith.addf %mul3A_986, %mul3A_987 : vector<128x128xf32>
    %mul3A_989 = arith.mulf %sub3A_985, %sub3A_985 : vector<128x128xf32>
    %add3A_990 = arith.addf %add3A_988, %mul3A_989 : vector<128x128xf32>
    %convert_element_type3A_991 = arith.fptosi %add3A_990 : vector<128x128xf32> to vector<128x128xi32>
    %mul3A_992 = arith.constant 1024 : i32
    %mul3A_993 = vector.broadcast %mul3A_992 : i32 to vector<128x128xi32>
    %mul3A_994 = arith.muli %convert_element_type3A_991, %mul3A_993 : vector<128x128xi32>
    %add3A_995 = arith.constant 384 : i32
    %add3A_996 = vector.broadcast %add3A_995 : i32 to vector<128x128xi32>
    %add3A_997 = arith.addi %iota3A_0, %add3A_996 : vector<128x128xi32>
    %add3A_998 = arith.addi %mul3A_994, %add3A_997 : vector<128x128xi32>
    %reduce_min3A_999 = arith.constant dense<2147483647> : vector<128xi32>
    %reduce_min3A_1000 = vector.multi_reduction <minsi>, %add3A_998, %reduce_min3A_999 [0] : vector<128x128xi32> to vector<128xi32>
    %broadcast_in_dim3A_1001 = vector.shape_cast %reduce_min3A_1000 : vector<128xi32> to vector<1x128xi32>
    %min3A_1002 = arith.minsi %min3A_970, %broadcast_in_dim3A_1001 : vector<1x128xi32>
    %get3A_1003 = arith.constant 512 : index
    %get3A_1004 = arith.constant 0 : index
    %get3A_1005 = vector.load %arg4[%get3A_1003, %get3A_1004] : memref<1024x128xf32, #tpu.memory_space<vmem>>, vector<128x128xf32>
    %sub3A_1006 = vector.broadcast %get3A_865 : vector<1x128xf32> to vector<128x128xf32>
    %sub3A_1007 = arith.subf %sub3A_1006, %get3A_1005 : vector<128x128xf32>
    %get3A_1008 = arith.constant 512 : index
    %get3A_1009 = arith.constant 0 : index
    %get3A_1010 = vector.load %arg5[%get3A_1008, %get3A_1009] : memref<1024x128xf32, #tpu.memory_space<vmem>>, vector<128x128xf32>
    %sub3A_1011 = vector.broadcast %get3A_870 : vector<1x128xf32> to vector<128x128xf32>
    %sub3A_1012 = arith.subf %sub3A_1011, %get3A_1010 : vector<128x128xf32>
    %get3A_1013 = arith.constant 512 : index
    %get3A_1014 = arith.constant 0 : index
    %get3A_1015 = vector.load %arg6[%get3A_1013, %get3A_1014] : memref<1024x128xf32, #tpu.memory_space<vmem>>, vector<128x128xf32>
    %sub3A_1016 = vector.broadcast %get3A_875 : vector<1x128xf32> to vector<128x128xf32>
    %sub3A_1017 = arith.subf %sub3A_1016, %get3A_1015 : vector<128x128xf32>
    %mul3A_1018 = arith.mulf %sub3A_1007, %sub3A_1007 : vector<128x128xf32>
    %mul3A_1019 = arith.mulf %sub3A_1012, %sub3A_1012 : vector<128x128xf32>
    %add3A_1020 = arith.addf %mul3A_1018, %mul3A_1019 : vector<128x128xf32>
    %mul3A_1021 = arith.mulf %sub3A_1017, %sub3A_1017 : vector<128x128xf32>
    %add3A_1022 = arith.addf %add3A_1020, %mul3A_1021 : vector<128x128xf32>
    %convert_element_type3A_1023 = arith.fptosi %add3A_1022 : vector<128x128xf32> to vector<128x128xi32>
    %mul3A_1024 = arith.constant 1024 : i32
    %mul3A_1025 = vector.broadcast %mul3A_1024 : i32 to vector<128x128xi32>
    %mul3A_1026 = arith.muli %convert_element_type3A_1023, %mul3A_1025 : vector<128x128xi32>
    %add3A_1027 = arith.constant 512 : i32
    %add3A_1028 = vector.broadcast %add3A_1027 : i32 to vector<128x128xi32>
    %add3A_1029 = arith.addi %iota3A_0, %add3A_1028 : vector<128x128xi32>
    %add3A_1030 = arith.addi %mul3A_1026, %add3A_1029 : vector<128x128xi32>
    %reduce_min3A_1031 = arith.constant dense<2147483647> : vector<128xi32>
    %reduce_min3A_1032 = vector.multi_reduction <minsi>, %add3A_1030, %reduce_min3A_1031 [0] : vector<128x128xi32> to vector<128xi32>
    %broadcast_in_dim3A_1033 = vector.shape_cast %reduce_min3A_1032 : vector<128xi32> to vector<1x128xi32>
    %min3A_1034 = arith.minsi %min3A_1002, %broadcast_in_dim3A_1033 : vector<1x128xi32>
    %get3A_1035 = arith.constant 640 : index
    %get3A_1036 = arith.constant 0 : index
    %get3A_1037 = vector.load %arg4[%get3A_1035, %get3A_1036] : memref<1024x128xf32, #tpu.memory_space<vmem>>, vector<128x128xf32>
    %sub3A_1038 = vector.broadcast %get3A_865 : vector<1x128xf32> to vector<128x128xf32>
    %sub3A_1039 = arith.subf %sub3A_1038, %get3A_1037 : vector<128x128xf32>
    %get3A_1040 = arith.constant 640 : index
    %get3A_1041 = arith.constant 0 : index
    %get3A_1042 = vector.load %arg5[%get3A_1040, %get3A_1041] : memref<1024x128xf32, #tpu.memory_space<vmem>>, vector<128x128xf32>
    %sub3A_1043 = vector.broadcast %get3A_870 : vector<1x128xf32> to vector<128x128xf32>
    %sub3A_1044 = arith.subf %sub3A_1043, %get3A_1042 : vector<128x128xf32>
    %get3A_1045 = arith.constant 640 : index
    %get3A_1046 = arith.constant 0 : index
    %get3A_1047 = vector.load %arg6[%get3A_1045, %get3A_1046] : memref<1024x128xf32, #tpu.memory_space<vmem>>, vector<128x128xf32>
    %sub3A_1048 = vector.broadcast %get3A_875 : vector<1x128xf32> to vector<128x128xf32>
    %sub3A_1049 = arith.subf %sub3A_1048, %get3A_1047 : vector<128x128xf32>
    %mul3A_1050 = arith.mulf %sub3A_1039, %sub3A_1039 : vector<128x128xf32>
    %mul3A_1051 = arith.mulf %sub3A_1044, %sub3A_1044 : vector<128x128xf32>
    %add3A_1052 = arith.addf %mul3A_1050, %mul3A_1051 : vector<128x128xf32>
    %mul3A_1053 = arith.mulf %sub3A_1049, %sub3A_1049 : vector<128x128xf32>
    %add3A_1054 = arith.addf %add3A_1052, %mul3A_1053 : vector<128x128xf32>
    %convert_element_type3A_1055 = arith.fptosi %add3A_1054 : vector<128x128xf32> to vector<128x128xi32>
    %mul3A_1056 = arith.constant 1024 : i32
    %mul3A_1057 = vector.broadcast %mul3A_1056 : i32 to vector<128x128xi32>
    %mul3A_1058 = arith.muli %convert_element_type3A_1055, %mul3A_1057 : vector<128x128xi32>
    %add3A_1059 = arith.constant 640 : i32
    %add3A_1060 = vector.broadcast %add3A_1059 : i32 to vector<128x128xi32>
    %add3A_1061 = arith.addi %iota3A_0, %add3A_1060 : vector<128x128xi32>
    %add3A_1062 = arith.addi %mul3A_1058, %add3A_1061 : vector<128x128xi32>
    %reduce_min3A_1063 = arith.constant dense<2147483647> : vector<128xi32>
    %reduce_min3A_1064 = vector.multi_reduction <minsi>, %add3A_1062, %reduce_min3A_1063 [0] : vector<128x128xi32> to vector<128xi32>
    %broadcast_in_dim3A_1065 = vector.shape_cast %reduce_min3A_1064 : vector<128xi32> to vector<1x128xi32>
    %min3A_1066 = arith.minsi %min3A_1034, %broadcast_in_dim3A_1065 : vector<1x128xi32>
    %get3A_1067 = arith.constant 768 : index
    %get3A_1068 = arith.constant 0 : index
    %get3A_1069 = vector.load %arg4[%get3A_1067, %get3A_1068] : memref<1024x128xf32, #tpu.memory_space<vmem>>, vector<128x128xf32>
    %sub3A_1070 = vector.broadcast %get3A_865 : vector<1x128xf32> to vector<128x128xf32>
    %sub3A_1071 = arith.subf %sub3A_1070, %get3A_1069 : vector<128x128xf32>
    %get3A_1072 = arith.constant 768 : index
    %get3A_1073 = arith.constant 0 : index
    %get3A_1074 = vector.load %arg5[%get3A_1072, %get3A_1073] : memref<1024x128xf32, #tpu.memory_space<vmem>>, vector<128x128xf32>
    %sub3A_1075 = vector.broadcast %get3A_870 : vector<1x128xf32> to vector<128x128xf32>
    %sub3A_1076 = arith.subf %sub3A_1075, %get3A_1074 : vector<128x128xf32>
    %get3A_1077 = arith.constant 768 : index
    %get3A_1078 = arith.constant 0 : index
    %get3A_1079 = vector.load %arg6[%get3A_1077, %get3A_1078] : memref<1024x128xf32, #tpu.memory_space<vmem>>, vector<128x128xf32>
    %sub3A_1080 = vector.broadcast %get3A_875 : vector<1x128xf32> to vector<128x128xf32>
    %sub3A_1081 = arith.subf %sub3A_1080, %get3A_1079 : vector<128x128xf32>
    %mul3A_1082 = arith.mulf %sub3A_1071, %sub3A_1071 : vector<128x128xf32>
    %mul3A_1083 = arith.mulf %sub3A_1076, %sub3A_1076 : vector<128x128xf32>
    %add3A_1084 = arith.addf %mul3A_1082, %mul3A_1083 : vector<128x128xf32>
    %mul3A_1085 = arith.mulf %sub3A_1081, %sub3A_1081 : vector<128x128xf32>
    %add3A_1086 = arith.addf %add3A_1084, %mul3A_1085 : vector<128x128xf32>
    %convert_element_type3A_1087 = arith.fptosi %add3A_1086 : vector<128x128xf32> to vector<128x128xi32>
    %mul3A_1088 = arith.constant 1024 : i32
    %mul3A_1089 = vector.broadcast %mul3A_1088 : i32 to vector<128x128xi32>
    %mul3A_1090 = arith.muli %convert_element_type3A_1087, %mul3A_1089 : vector<128x128xi32>
    %add3A_1091 = arith.constant 768 : i32
    %add3A_1092 = vector.broadcast %add3A_1091 : i32 to vector<128x128xi32>
    %add3A_1093 = arith.addi %iota3A_0, %add3A_1092 : vector<128x128xi32>
    %add3A_1094 = arith.addi %mul3A_1090, %add3A_1093 : vector<128x128xi32>
    %reduce_min3A_1095 = arith.constant dense<2147483647> : vector<128xi32>
    %reduce_min3A_1096 = vector.multi_reduction <minsi>, %add3A_1094, %reduce_min3A_1095 [0] : vector<128x128xi32> to vector<128xi32>
    %broadcast_in_dim3A_1097 = vector.shape_cast %reduce_min3A_1096 : vector<128xi32> to vector<1x128xi32>
    %min3A_1098 = arith.minsi %min3A_1066, %broadcast_in_dim3A_1097 : vector<1x128xi32>
    %get3A_1099 = arith.constant 896 : index
    %get3A_1100 = arith.constant 0 : index
    %get3A_1101 = vector.load %arg4[%get3A_1099, %get3A_1100] : memref<1024x128xf32, #tpu.memory_space<vmem>>, vector<128x128xf32>
    %sub3A_1102 = vector.broadcast %get3A_865 : vector<1x128xf32> to vector<128x128xf32>
    %sub3A_1103 = arith.subf %sub3A_1102, %get3A_1101 : vector<128x128xf32>
    %get3A_1104 = arith.constant 896 : index
    %get3A_1105 = arith.constant 0 : index
    %get3A_1106 = vector.load %arg5[%get3A_1104, %get3A_1105] : memref<1024x128xf32, #tpu.memory_space<vmem>>, vector<128x128xf32>
    %sub3A_1107 = vector.broadcast %get3A_870 : vector<1x128xf32> to vector<128x128xf32>
    %sub3A_1108 = arith.subf %sub3A_1107, %get3A_1106 : vector<128x128xf32>
    %get3A_1109 = arith.constant 896 : index
    %get3A_1110 = arith.constant 0 : index
    %get3A_1111 = vector.load %arg6[%get3A_1109, %get3A_1110] : memref<1024x128xf32, #tpu.memory_space<vmem>>, vector<128x128xf32>
    %sub3A_1112 = vector.broadcast %get3A_875 : vector<1x128xf32> to vector<128x128xf32>
    %sub3A_1113 = arith.subf %sub3A_1112, %get3A_1111 : vector<128x128xf32>
    %mul3A_1114 = arith.mulf %sub3A_1103, %sub3A_1103 : vector<128x128xf32>
    %mul3A_1115 = arith.mulf %sub3A_1108, %sub3A_1108 : vector<128x128xf32>
    %add3A_1116 = arith.addf %mul3A_1114, %mul3A_1115 : vector<128x128xf32>
    %mul3A_1117 = arith.mulf %sub3A_1113, %sub3A_1113 : vector<128x128xf32>
    %add3A_1118 = arith.addf %add3A_1116, %mul3A_1117 : vector<128x128xf32>
    %convert_element_type3A_1119 = arith.fptosi %add3A_1118 : vector<128x128xf32> to vector<128x128xi32>
    %mul3A_1120 = arith.constant 1024 : i32
    %mul3A_1121 = vector.broadcast %mul3A_1120 : i32 to vector<128x128xi32>
    %mul3A_1122 = arith.muli %convert_element_type3A_1119, %mul3A_1121 : vector<128x128xi32>
    %add3A_1123 = arith.constant 896 : i32
    %add3A_1124 = vector.broadcast %add3A_1123 : i32 to vector<128x128xi32>
    %add3A_1125 = arith.addi %iota3A_0, %add3A_1124 : vector<128x128xi32>
    %add3A_1126 = arith.addi %mul3A_1122, %add3A_1125 : vector<128x128xi32>
    %reduce_min3A_1127 = arith.constant dense<2147483647> : vector<128xi32>
    %reduce_min3A_1128 = vector.multi_reduction <minsi>, %add3A_1126, %reduce_min3A_1127 [0] : vector<128x128xi32> to vector<128xi32>
    %broadcast_in_dim3A_1129 = vector.shape_cast %reduce_min3A_1128 : vector<128xi32> to vector<1x128xi32>
    %min3A_1130 = arith.minsi %min3A_1098, %broadcast_in_dim3A_1129 : vector<1x128xi32>
    %and3A_1131 = arith.constant 1023 : i32
    %and3A_1132 = vector.broadcast %and3A_1131 : i32 to vector<1x128xi32>
    %and3A_1133 = arith.andi %min3A_1130, %and3A_1132 : vector<1x128xi32>
    %eq3A_1134 = vector.broadcast %and3A_1133 : vector<1x128xi32> to vector<1024x128xi32>
    %eq3A_1135 = arith.cmpi eq, %iota3A, %eq3A_1134 : vector<1024x128xi32>
    %jit3A_1136 = arith.constant 1.000000e+00 : f32
    %jit3A_1137 = arith.constant 0.000000e+00 : f32
    %broadcast_in_dim3A_1138 = vector.broadcast %jit3A_1136 : f32 to vector<1024x128xf32>
    %broadcast_in_dim3A_1139 = vector.broadcast %jit3A_1137 : f32 to vector<1024x128xf32>
    %select_n3A_1140 = arith.select %eq3A_1135, %broadcast_in_dim3A_1138, %broadcast_in_dim3A_1139 : vector<1024x128xi1>, vector<1024x128xf32>
    %convert_element_type3A_1141 = arith.truncf %select_n3A_1140 : vector<1024x128xf32> to vector<1024x128xbf16>
    %dot_general3A_1142 = arith.constant dense<0.000000e+00> : vector<128x128xf32>
    %dot_general3A_1143 = tpu.matmul %convert_element_type3A_1141, %convert_element_type3A, %dot_general3A_1142 {dimension_numbers = #tpu.dot_dimension_numbers<[0], [0], [1], [1], [0, 1, 1, 1], [], []>, transpose_lhs_hint = false} : vector<1024x128xbf16>, vector<1024x128xbf16>, vector<128x128xf32> -> vector<128x128xf32>
    %get3A_1144 = arith.constant 384 : index
    %get3A_1145 = arith.constant 0 : index
    %get3A_1146 = vector.load %arg8[%get3A_1144, %get3A_1145] : memref<512x128xf32, #tpu.memory_space<vmem>>, vector<128x128xf32>
    %add3A_1147 = arith.addf %dot_general3A_1143, %get3A_1146 : vector<128x128xf32>
    %swap3A_1148 = arith.constant 384 : index
    %swap3A_1149 = arith.constant 0 : index
    %swap3A_1150 = vector.load %arg9[%swap3A_1148, %swap3A_1149] : memref<512x128xf32, #tpu.memory_space<vmem>>, vector<128x128xf32>
    tpu.vector_store %arg9[%swap3A_1148, %swap3A_1149], %add3A_1147 {strides = array<i32>} : memref<512x128xf32, #tpu.memory_space<vmem>>, vector<128x128xf32>,
    return
  }
  func.func @transform_0(%arg0: i32) -> (i32, i32, i32) {
    %c0_i32 = arith.constant 0 : i32
    %c0_i32_0 = arith.constant 0 : i32
    %c0_i32_1 = arith.constant 0 : i32
    return %arg0, %c0_i32, %c0_i32_0 : i32, i32, i32
  }
  func.func @transform_1(%arg0: i32) -> (i32, i32, i32) {
    %c0_i32 = arith.constant 0 : i32
    %c0_i32_0 = arith.constant 0 : i32
    %c0_i32_1 = arith.constant 0 : i32
    return %arg0, %c0_i32, %c0_i32_0 : i32, i32, i32
  }
  func.func @transform_2(%arg0: i32) -> (i32, i32, i32) {
    %c0_i32 = arith.constant 0 : i32
    %c0_i32_0 = arith.constant 0 : i32
    %c0_i32_1 = arith.constant 0 : i32
    return %arg0, %c0_i32, %c0_i32_0 : i32, i32, i32
  }
  func.func @transform_3(%arg0: i32) -> (i32, i32) {
    %c0_i32 = arith.constant 0 : i32
    %c0_i32_0 = arith.constant 0 : i32
    %c0_i32_1 = arith.constant 0 : i32
    return %c0_i32, %c0_i32_0 : i32, i32
  }
  func.func @transform_4(%arg0: i32) -> (i32, i32) {
    %c0_i32 = arith.constant 0 : i32
    %c0_i32_0 = arith.constant 0 : i32
    %c0_i32_1 = arith.constant 0 : i32
    return %c0_i32, %c0_i32_0 : i32, i32
  }
  func.func @transform_5(%arg0: i32) -> (i32, i32) {
    %c0_i32 = arith.constant 0 : i32
    %c0_i32_0 = arith.constant 0 : i32
    %c0_i32_1 = arith.constant 0 : i32
    return %c0_i32, %c0_i32_0 : i32, i32
  }
  func.func @transform_6(%arg0: i32) -> (i32, i32) {
    %c0_i32 = arith.constant 0 : i32
    %c0_i32_0 = arith.constant 0 : i32
    %c0_i32_1 = arith.constant 0 : i32
    return %c0_i32, %c0_i32_0 : i32, i32
  }
  func.func @transform_7(%arg0: i32) -> (i32, i32) {
    %c0_i32 = arith.constant 0 : i32
    %c0_i32_0 = arith.constant 0 : i32
    return %arg0, %c0_i32 : i32, i32
  }
  func.func @transform_8(%arg0: i32) -> (i32, i32) {
    %c0_i32 = arith.constant 0 : i32
    %c0_i32_0 = arith.constant 0 : i32
    return %arg0, %c0_i32 : i32, i32
  }
}

</mosaic_0001>

<sc_bundles>
// kernel: kernel.6.cloned.1.call-start
scs
__scs_entry_jumppad:
0x0: {  	(pc) =	sbr.rel $0x88, $3  }
0x1: {  	(tag) =	ssettag $0x0;
	lr =	simm.s32 $0x1  }
0x2: {  	[smem:$0x3F9B] =	sst lr;
	_ =	strace $0xD0000000  }
0x3: {  	_ = 	snop  }
0x4: {  	_ = 	snop  }
0x5: {  	_ = 	snop  }
0x6: {  	_ = 	snop  }
0x7: {  	_ = 	snop  }
__scs_overlays_trampoline_lowered:
0x8: {  	[smem:$0x3FAA] =	sst s0  }
0x9: {  	[smem:$0x3FAB] =	sst s1  }
0xa: {  	[smem:$0x3FAC] =	sst s2  }
0xb: {  	[smem:$0x3FAD] =	sst s3  }
0xc: {  	[smem:$0x3FAE] =	sst s4  }
0xd: {  	[smem:$0x3FAF] =	sst s5  }
0xe: {  	[smem:$0x3FB0] =	sst s6  }
0xf: {  	[smem:$0x3FB1] =	sst s7  }
0x10: {  	[smem:$0x3FB2] =	sst s8  }
0x11: {  	[smem:$0x3FB3] =	sst s9;
	s0 =	simm.s32 @!p0 $0x0  }
0x12: {  	s1 =	sld [smem:$0x3F99];
	s0 =	simm.s32 @p0 $0x1  }
0x13: {  	[smem:$0x3FB4] =	sst s0;
	s0 =	simm.s32 @!p1 $0x0  }
0x14: {  	s2 =	sld [smem:$0x3F98];
	s0 =	simm.s32 @p1 $0x1  }
0x15: {  	[smem:$0x3FB5] =	sst s0;
	s0 =	simm.s32 @!p2 $0x0  }
0x16: {  	s3 =	sld [smem:$0x3FDB];
	s0 =	simm.s32 @p2 $0x1  }
0x17: {  	s4 =	simm.s32 $0x1BF5;
	[smem:$0x3FB7] =	sst s0  }
0x18: {  	s0 =	sld [smem:$0x3F9A];
	_ =	swait.ge [sflag:s4], $0x0  }
0x19: {  	s7 =	sld [smem:$0x3F9B]  }
0x1a: {  	s8 =	sadd.s32 $0xFFFFE003, lr  }
0x1b: {  	s9 =	sadd.s32 $0xFFFFFEF7, lr;
	s5 =	simm.s32 $0xFFFFFFFF;
	p2 =	slt.u32 s8, $0xFFFFF086  }
0x1c: {  	p1 =	slt.u32 s9, $0xF7A;
	s5 =	simm.s32 @!p2 $0x0  }
0x1d: {  	s5 =	simm.s32 @p1 $0x1;
	p0 =	seq.s32 s7, s2  }
0x1e: {  	s7 =	smul.u32 @!p0 $0xF7A, s2;
	p2 =	seq.s32 @!p0 s5, $0x0  }
0x1f: {  	s9 =	smul.u32 $0xF7A, s1;
	s8 =	simm.s32 @!p0 $0x1BF5;
	p2 =	por !p2, p0  }
0x20: {  	[sflag:s8] =	ssyncset.s32 @!p0 $0xFFFFF086;
	s6 =	sadd.s32 @!p0 s3, s7;
	s7 =	simm.s32 @!p0 $0x108  }
0x21: {  	s3 =	sadd.s32 s3, s9;
	s6 =	sadd.s32 @!p0 $0x88, s6;
	s7 =	simm.s32 @p2 $0x1082  }
0x22: {  	[simem:s7], [sflag:s8] =	dma.local @!p0 [hbm:s6], $0xF7A  }
0x23: {  	s9 =	sor.u32 $0xD0000000, s2;
	s6 =	simm.s32 $0x108;
	_ =	swait.ge @!p0 [sflag:s8], $0x0  }
0x24: {  	s3 =	sadd.s32 $0x88, s3;
	s6 =	simm.s32 @!p1 $0x1082;
	[sflag:s4] =	ssyncset.s32 $0xFFFFF086  }
0x25: {  	[simem:s6], [sflag:s4] =	dma.local [hbm:s3], $0xF7A  }
0x26: {  	[smem:$0x3F9B] =	sst s1;
	(tag) =	ssettag s2;
	_ =	strace s9  }
0x27: {  	s1 =	sld [smem:$0x3FAB]  }
0x28: {  	s2 =	sld [smem:$0x3FAC]  }
0x29: {  	s4 =	sld [smem:$0x3FAE]  }
0x2a: {  	p0 =	seq.s32 s5, $0x0;
	s5 =	sld [smem:$0x3FAF]  }
0x2b: {  	s6 =	sld [smem:$0x3FB0]  }
0x2c: {  	s7 =	sld [smem:$0x3FB1]  }
0x2d: {  	s3 =	simm.s32 $0x108;
	s8 =	sld [smem:$0x3FB2]  }
0x2e: {  	s3 =	simm.s32 @!p0 $0x1082;
	s9 =	sld [smem:$0x3FB3]  }
0x2f: {  	lr =	sadd.s32 s0, s3;
	s0 =	sld [smem:$0x3FAA]  }
0x30: {  	s3 =	sld [smem:$0x3FAD]  }
0x31: {  	[smem:$0x3FB6] =	sst s10  }
0x32: {  	s10 =	sld [smem:$0x3FB4];
	_ =	sdelay $0x3  }
0x33: {  	p0 =	seq.s32 s10, $0x1;
	s10 =	sld [smem:$0x3FB6];
	_ =	sdelay $0x3  }
0x34: {  	[smem:$0x3FB6] =	sst s10  }
0x35: {  	s10 =	sld [smem:$0x3FB5];
	_ =	sdelay $0x3  }
0x36: {  	p1 =	seq.s32 s10, $0x1;
	s10 =	sld [smem:$0x3FB6];
	_ =	sdelay $0x3  }
0x37: {  	[smem:$0x3FB6] =	sst s10  }
0x38: {  	s10 =	sld [smem:$0x3FB7]  }
0x39: {  	_ = 	snop;
	(pc) =	sbr.ind lr, $3  }
0x3a: {  	_ = 	snop  }
0x3b: {  	_ = 	snop  }
0x3c: {  	p2 =	seq.s32 s10, $0x1;
	s10 =	sld [smem:$0x3FB6]  }
0x3d: {  	_ =	shalt  }
0x3e: {  	_ =	shalt  }
0x3f: {  	_ =	shalt  }
0x40: {  	_ =	shalt  }
0x41: {  	_ =	shalt  }
0x42: {  	_ =	shalt  }
0x43: {  	_ =	shalt  }
0x44: {  	_ =	shalt  }
0x45: {  	_ =	shalt  }
0x46: {  	_ =	shalt  }
0x47: {  	_ =	shalt  }
0x48: {  	_ =	shalt  }
0x49: {  	_ =	shalt  }
0x4a: {  	_ =	shalt  }
0x4b: {  	_ =	shalt  }
0x4c: {  	_ =	shalt  }
0x4d: {  	_ =	shalt  }
0x4e: {  	_ =	shalt  }
0x4f: {  	_ =	shalt  }
0x50: {  	_ =	shalt  }
0x51: {  	_ =	shalt  }
0x52: {  	_ =	shalt  }
0x53: {  	_ =	shalt  }
0x54: {  	_ =	shalt  }
0x55: {  	_ =	shalt  }
0x56: {  	_ =	shalt  }
0x57: {  	_ =	shalt  }
0x58: {  	_ =	shalt  }
0x59: {  	_ =	shalt  }
0x5a: {  	_ =	shalt  }
0x5b: {  	_ =	shalt  }
0x5c: {  	_ =	shalt  }
0x5d: {  	_ =	shalt  }
0x5e: {  	_ =	shalt  }
0x5f: {  	_ =	shalt  }
0x60: {  	_ =	shalt  }
0x61: {  	_ =	shalt  }
0x62: {  	_ =	shalt  }
0x63: {  	_ =	shalt  }
0x64: {  	_ =	shalt  }
0x65: {  	_ =	shalt  }
0x66: {  	_ =	shalt  }
0x67: {  	_ =	shalt  }
0x68: {  	_ =	shalt  }
0x69: {  	_ =	shalt  }
0x6a: {  	_ =	shalt  }
0x6b: {  	_ =	shalt  }
0x6c: {  	_ =	shalt  }
0x6d: {  	_ =	shalt  }
0x6e: {  	_ =	shalt  }
0x6f: {  	_ =	shalt  }
0x70: {  	_ =	shalt  }
0x71: {  	_ =	shalt  }
0x72: {  	_ =	shalt  }
0x73: {  	_ =	shalt  }
0x74: {  	_ =	shalt  }
0x75: {  	_ =	shalt  }
0x76: {  	_ =	shalt  }
0x77: {  	_ =	shalt  }
0x78: {  	_ =	shalt  }
0x79: {  	_ =	shalt  }
0x7a: {  	_ =	shalt  }
0x7b: {  	_ =	shalt  }
0x7c: {  	_ =	shalt  }
0x7d: {  	_ =	shalt  }
0x7e: {  	_ =	shalt  }
0x7f: {  	_ =	shalt  }
0x80: {  	_ =	shalt  }
0x81: {  	_ =	shalt  }
0x82: {  	_ =	shalt  }
0x83: {  	_ =	shalt  }
0x84: {  	_ =	shalt  }
0x85: {  	_ =	shalt  }
0x86: {  	_ =	shalt  }
0x87: {  	_ =	shalt  }
.Lfunc_end0:
.L_simem_size_0:
called_computation_lowered:
.L_overlay_start_0:
0x88: {  	s2 =	sld [smem:$0x3FD9]  }
0x89: {  	s3 =	sld [smem:$0x3FFE];
	_ =	sdelay $0x1  }
0x8a: {  	s1 =	srdreg.scid  }
0x8b: {  	s0 =	sand.u32 $0x1, s1  }
0x8c: {  	s17 =	sshll.u32 s0, $0xA;
	s2 =	sadd.s32 s3, s2  }
0x8d: {  	s2 =	sadd.s32 s2, s17  }
0x8e: {  	[smem:$0x3FC2] =	sst s2  }
0x8f: {  	_ = 	snop  }
0x90: {  	s2 =	sld [smem:$0x3FC9]  }
0x91: {  	s18 =	sld [smem:$0x3FD0];
	(tm) =	ssettm $0x1  }
0x92: {  	s4 =	sld [smem:$0x3FFB];
	_ =	sdelay $0x3  }
0x93: {  	_ =	strace s4  }
0x94: {  	s4 =	sld [smem:$0x3FFC];
	_ =	sdelay $0x3  }
0x95: {  	_ =	strace s4  }
0x96: {  	s4 =	sld [smem:$0x3FFD];
	_ =	sdelay $0x3  }
0x97: {  	_ =	strace s4  }
0x98: {  	_ =	strace $0x8FFFFFFF  }
0x99: {  	s19 =	sld [smem:$0x3FDB];
	_ =	sdelay $0x1  }
0x9a: {  	s5 =	simm.s32 $_scs_section_size  }
0x9b: {  	s6 =	simm.s32 $_size__tile_overlayer_lowered;
	s7 =	simm.s32 $_tile_overlayer_lowered  }
0x9c: {  	s22 =	simm.s32 $0x1BFF;
	s21 =	sshll.u32 s7, $0x1;
	s4 =	sadd.s32 s5, s19  }
0x9d: {  	s8 =	simm.s32 $0x0;
	s20 =	sshll.u32 s6, $0x1;
	s6 =	sadd.s32 s21, s4  }
0x9e: {  	[timem:s8], [sflag:s22] =	dma.local [hbm:s6], s20  }
0x9f: {  	_ =	swait.ge [sflag:s22], s20  }
0xa0: {  	s5 =	ssub.s32 $0x0, s20;
	[sflag:s22] =	ssyncset.done $0x0  }
0xa1: {  	[sflag:s22] =	ssyncadd.s32 s5;
	_ =	sdelay $0x1  }
0xa2: {  	s23 =	simm.s32 $0x1B8B  }
0xa3: {  	_ =	swait.ge [sflag:s23], $0x1  }
0xa4: {  	[sflag:s23] =	ssyncset.done $0x0  }
0xa5: {  	s25 =	simm.s32 $0x1B8E;
	s24 =	sld [smem:$0x3FFE];
	[sflag:s23] =	ssyncadd.s32 $0xFFFFFFFF  }
0xa6: {  	s26 =	simm.s32 $execute0_lowered;
	[smem:$0x3FD2] =	sst s25  }
0xa7: {  	s6 =	sshll.u32 s26, $0x1;
	_ =	strace $0x80000046;
	[dreg:$0x1] =	wrdreg $0xFFFFFFFF  }
0xa8: {  	s28 =	simm.s32 $_size_execute0_lowered;
	s4 =	sadd.s32 s4, s6;
	[dreg:$0x0] =	wrdreg $0x0  }
0xa9: {  	s6 =	sshll.u32 s28, $0x1;
	[dreg:$0x2] =	wrdreg s4  }
0xaa: {  	[dreg:$0x3] =	wrdreg s6  }
0xab: {  	[dreg:$0x4] =	wrdreg $0xC0  }
0xac: {  	_ =	task [dreg:s8], $0x5FFFF  }
0xad: {  	[dreg:$0x1] =	wrdreg $0xFFFFFFFF  }
0xae: {  	[dreg:$0x0] =	wrdreg $0x60  }
0xaf: {  	[dreg:$0x2] =	wrdreg s2  }
0xb0: {  	[dreg:$0x3] =	wrdreg s24  }
0xb1: {  	[dreg:$0x4] =	wrdreg s18  }
0xb2: {  	[dreg:$0x5] =	wrdreg $0x9  }
0xb3: {  	_ =	task.clear_ibuf [dreg:s8], $0x6FFFF;
	_ =	strace $0x90000046  }
0xb4: {  	s29 =	simm.s32 $0x9;
	_ =	strace $0x80000048  }
0xb5: {  	_ =	swait.ge [sflag:s29], $0x1  }
0xb6: {  	[sflag:s29] =	ssyncadd.s32 $0xFFFFFFFF  }
0xb7: {  	_ =	strace $0x90000048  }
0xb8: {  	_ =	sfence  }
0xb9: {  	s30 =	sld [smem:$0x0];
	_ =	sdelay $0x2  }
0xba: {  	s31 =	sshll.u32 s1, $0xD;
	s1 =	sshrl.u32 s1, $0x2  }
0xbb: {  	s3 =	sand.u32 $0x4000, s31;
	s1 =	sadd.s32 s1, s30  }
0xbc: {  	s0 =	sor.u32 s3, s0;
	s1 =	sshll.u32 s1, $0x11  }
0xbd: {  	s0 =	sor.u32 s1, s0  }
0xbe: {  	s0 =	sadd.s32 $0x8F2B, s0  }
0xbf: {  	[sflag:s0] =	ssyncadd.remote.s32 $0x1  }
0xc0: {  	_ =	sfence.sel $0xFFFF  }
0xc1: {  	[dreg:$0x0] =	wrdreg $0xFFFFFFFF;
	(pc) =	sbr.abs _section_cstart, $3  }
0xc2: {  	[dreg:$0x1] =	wrdreg $0xFFFFFFFF  }
0xc3: {  	_ =	task.clear_ibuf [dreg:s8], $0x2FFFF;
	_ =	strace $0x9FFFFFFF  }
0xc4: {  	(tm) =	ssettm $0x7FFFFFFF  }
0xc5: {  	_ =	shalt  }
tec
execute0_lowered:
.L_overlay_start_1:
0x0: {  	(tag) =	ssettag $0x1  }
0x1: {  	s2 =	srdreg.scid  }
0x2: {  	s1 =	rddreg [dreg:$0x0];
	s0 =	stileid.u32;
	s6 =	sand.u32 $0x1, s2  }
0x3: {  	s4 =	rddreg [dreg:$0x1];
	s30 =	sshll.u32 s0, $0x6;
	s3 =	sshll.u32 s6, $0x5  }
0x4: {  	s9 =	rddreg [dreg:$0x2];
	s10 =	sor.u32 s3, s30  }
0x5: {  	s2 =	rddreg [dreg:$0x3];
	s3 =	simm.s32 $0x0;
	s5 =	sshrl.u32 s10, $0x3  }
0x6: {  	s11 =	ssub.s32 $0x2, s6;
	[smem:$0x7FF] =	sst s3;
	s4 =	sadd.s32 s5, s4  }
0x7: {  	_ =	strace $0x80000047;
	s5 =	sadd.s32 $0x1000, s4;
	s4 =	simm.s32 $0x2  }
0x8: {  	[tilespmem:s3], [sflag:$0x2] =	stream.linear.gather [hbm4b:s5+s3], $0x20, $0x38;
	[tilespmem:$0x1080] =	vst v63  }
0x9: {  	s7 =	simm.s32 $0x80;
	s12 =	sshrl.u32 s11, $0x1;
	_ =	swait.ge [sflag:s4], $0x20  }
0xa: {  	s8 =	simm.s32 $0x1;
	s11 =	ssub.s32 s11, s12;
	[sflag:s4] =	ssyncset.done $0x0  }
0xb: {  	s6 =	simm.s32 $0x20;
	s31 =	smax.u32 s11, $0x1;
	[sflag:s4] =	ssyncadd.s32 $0xFFFFFFE0  }
0xc: {  	[tilespmem:s7], [sflag:$0x1] =	stream.indirect.gather [hbm4b:s1+s6], $0x80, s3, s6, $0xb8;
	[tilespmem:$0x1080] =	vst v63  }
0xd: {  	p0 =	sne.s32 s31, $0x1;
	_ =	swait.ge [sflag:s8], $0x1000  }
.Ltmp0:
0xe: {  	s10 =	sshll.u32 s10, $0x4;
	[sflag:s8] =	ssyncset.done $0x0;
	(pc) =	sbr.rel @!p0 .LBB2_2-.Ltmp0, $4  }
0xf: {  	s9 =	sadd.s32 s9, s10;
	[sflag:s8] =	ssyncadd.s32 $0xFFFFF000  }
0x10: {  	[hbm4b:s9+s3] =	stream.linear.scatter [tilespmem:s7], [sflag:$0x2], $0x1000, $0x38;
	[tilespmem:$0x1080] =	vst v63  }
0x11: {  	_ =	swait.ge [sflag:s4], $0x1000  }
0x12: {  	s10 =	sadd.s32 $0xFFFFFFFF, s31;
	[sflag:s4] =	ssyncset.done $0x0  }
.LBB2_1:
0x13: {  	p0 =	sne.s32 s10, $0x1;
	s10 =	sadd.s32 $0xFFFFFFFF, s10;
	[sflag:s4] =	ssyncadd.s32 $0xFFFFF000  }
0x14: {  	[tilespmem:s3], [sflag:$0x2] =	stream.linear.gather [hbm4b:s5+s3], $0x20, $0x38;
	[tilespmem:$0x1080] =	vst v63  }
0x15: {  	_ =	swait.ge [sflag:s4], $0x20  }
0x16: {  	[sflag:s4] =	ssyncset.done $0x0  }
0x17: {  	[sflag:s4] =	ssyncadd.s32 $0xFFFFFFE0  }
0x18: {  	[tilespmem:s7], [sflag:$0x1] =	stream.indirect.gather [hbm4b:s1+s6], $0x80, s3, s6, $0xb8;
	[tilespmem:$0x1080] =	vst v63  }
0x19: {  	_ =	swait.ge [sflag:s8], $0x1000  }
.Ltmp1:
0x1a: {  	[sflag:s8] =	ssyncset.done $0x0;
	(pc) =	sbr.rel @p0 .LBB2_1-.Ltmp1, $4  }
0x1b: {  	[sflag:s8] =	ssyncadd.s32 $0xFFFFF000  }
0x1c: {  	[hbm4b:s9+s3] =	stream.linear.scatter [tilespmem:s7], [sflag:$0x2], $0x1000, $0x38;
	[tilespmem:$0x1080] =	vst v63  }
0x1d: {  	_ =	swait.ge [sflag:s4], $0x1000  }
0x1e: {  	[sflag:s4] =	ssyncset.done $0x0  }
.LBB2_2:
0x1f: {  	[sflag:s4] =	ssyncadd.s32 $0xFFFFF000  }
0x20: {  	_ =	sfence.sel $0x180000  }
0x21: {  	[bflag:$0x0] =	sbarrier.arrive $0xFFFF  }
0x22: {  	p0 =	sne.s32 s0, $0x0;
	_ =	strace $0x90000047  }
0x23: {  	s0 =	sadd.s32 @!p0 $0x100000, s2;
	[bflag:$0x2] =	sbarrier.arrive $0xFFFF  }
0x24: {  	[sflag:s0] =	ssyncadd.tile.s32 @!p0 $0x1;
	_ =	shalt  }
.Lfunc_end2:
_tile_overlayer_lowered:
.L_overlay_start_2:
0x25: {  	(tag) =	ssettag $0x2  }
0x26: {  	s0 =	rddreg [dreg:$0x0];
	s2 =	stileid.u32  }
0x27: {  	s1 =	rddreg [dreg:$0x1];
	p0 =	sne.s32 s2, $0x0  }
0x28: {  	s3 =	rddreg [dreg:$0x2];
	[bflag:$0x3] =	sbarrier.arrive $0xFFFF;
	s2 =	simm.s32 @!p0 $0x1C02  }
0x29: {  	[timem:s3], [sflag:s2] =	dma.local @!p0 [hbm:s0], s1  }
0x2a: {  	s0 =	simm.s32 @!p0 $0x2  }
0x2b: {  	_ =	swait.ge @!p0 [sflag:s0], s1  }
0x2c: {  	s1 =	ssub.s32 @!p0 $0x0, s1;
	[sflag:s0] =	ssyncset.done @!p0 $0x0  }
0x2d: {  	[sflag:s0] =	ssyncadd.s32 @!p0 s1  }
0x2e: {  	[bflag:$0x3] =	sbarrier.arrive $0xFFFF  }
0x2f: {  	_ =	shalt  }

</sc_bundles>
